<compile_context>
chip_gen: v7x
topology: tpu7x:2x2x1
jax: 0.10.2.dev20260603
libtpu: 0.0.44.dev20260713+nightly
codegen_flags: <defaults>
</compile_context>

<pallas_src>
import functools

import jax
import jax.numpy as jnp
from jax import lax
from jax.experimental import pallas as pl
from jax.experimental.pallas import tpu as pltpu
from jax.experimental.pallas import tpu_sc as plsc

_E = 320000
_NW = 32
_EPW = _E // _NW
_CHUNKS = _EPW // 16
_SPLIT = 320
_UNROLL = 5
_ALPHA = 0.01


@functools.lru_cache(maxsize=None)
def _get_sc_edge_reduce():
    mesh = plsc.VectorSubcoreMesh(core_axis_name="c", subcore_axis_name="s")

    @functools.partial(
        pl.kernel,
        mesh=mesh,
        out_type=jax.ShapeDtypeStruct((_NW, 80), jnp.float32),
        scratch_types=[
            pltpu.VMEM((_EPW,), jnp.int32),
            pltpu.VMEM((4 * _EPW,), jnp.float32),
            pltpu.VMEM((80,), jnp.float32),
            pltpu.SemaphoreType.DMA,
            pltpu.SemaphoreType.DMA,
            pltpu.SemaphoreType.DMA,
        ],
    )
    def _sc_edge_reduce(recv_hbm, ecols_hbm, out_hbm, r_v, e_v, o_v,
                        sem_r, sem_a, sem_b):
        wid = lax.axis_index("c") * 16 + lax.axis_index("s")
        n1 = _SPLIT * 16
        n2 = _EPW - n1
        cp_r = pltpu.async_copy(recv_hbm.at[pl.ds(wid * _EPW, _EPW)], r_v, sem_r)
        cps_a = []
        cps_b = []
        for f in range(4):
            src = f * _E + wid * _EPW
            cps_a.append(pltpu.async_copy(
                ecols_hbm.at[pl.ds(src, n1)],
                e_v.at[pl.ds(f * _EPW, n1)], sem_a))
            cps_b.append(pltpu.async_copy(
                ecols_hbm.at[pl.ds(src + n1, n2)],
                e_v.at[pl.ds(f * _EPW + n1, n2)], sem_b))
        cp_r.wait()
        for cp in cps_a:
            cp.wait()

        zero = jnp.zeros((16,), jnp.float32)
        ones = jnp.full((16,), 1.0, jnp.float32)
        zi = jnp.zeros((16,), jnp.int32)

        def body(i, carry):
            a0, a1, a2, a3, cn = carry
            for u in range(_UNROLL):
                base = (i * _UNROLL + u) * 16
                r16 = r_v[pl.ds(base, 16)]
                m = r16 == zi
                cn = cn + jnp.where(m, ones, zero)
                accs = []
                for f, a in enumerate((a0, a1, a2, a3)):
                    ev = e_v[pl.ds(f * _EPW + base, 16)]
                    accs.append(a + jnp.where(m, ev, zero))
                a0, a1, a2, a3 = accs
            return (a0, a1, a2, a3, cn)

        init = (zero, zero, zero, zero, zero)
        carry = lax.fori_loop(0, _SPLIT // _UNROLL, body, init)
        for cp in cps_b:
            cp.wait()
        a0, a1, a2, a3, cn = lax.fori_loop(
            _SPLIT // _UNROLL, _CHUNKS // _UNROLL, body, carry)
        o_v[pl.ds(0, 16)] = a0
        o_v[pl.ds(16, 16)] = a1
        o_v[pl.ds(32, 16)] = a2
        o_v[pl.ds(48, 16)] = a3
        o_v[pl.ds(64, 16)] = cn
        pltpu.sync_copy(o_v, out_hbm.at[wid])

    return _sc_edge_reduce


def _dotT(a, b):
    return lax.dot_general(a, b, (((1,), (1,)), ((), ())),
                           precision=lax.Precision.HIGHEST,
                           preferred_element_type=jnp.float32)


def _mm(a, b):
    return lax.dot_general(a, b, (((1,), (0,)), ((), ())),
                           precision=lax.Precision.HIGHEST,
                           preferred_element_type=jnp.float32)


def _lrelu(x):
    return jnp.where(x >= 0, x, _ALPHA * x)


def _mm_b16(a, b):
    return lax.dot_general(a.astype(jnp.bfloat16), b.astype(jnp.bfloat16),
                           (((1,), (0,)), ((), ())),
                           preferred_element_type=jnp.float32)


def _dotT_b16(a, b):
    return lax.dot_general(a.astype(jnp.bfloat16), b.astype(jnp.bfloat16),
                           (((1,), (1,)), ((), ())),
                           preferred_element_type=jnp.float32)


def _dense_body(part_ref, n0_ref, wne_ref, bne_ref,
                wee_ref, bee_ref, wm_ref, bm_ref, wu_ref, bu_ref,
                wo1_ref, bo1_ref, wo2_ref, bo2_ref, wo3_ref, bo3_ref,
                wo3t_ref, wne36_ref, h_ref, g_ref):
    part = part_ref[...]
    s0 = jnp.sum(part[:, 0:16])
    s1 = jnp.sum(part[:, 16:32])
    s2 = jnp.sum(part[:, 32:48])
    s3 = jnp.sum(part[:, 48:64])
    d0 = jnp.sum(part[:, 64:80])
    def _b16(x):
        return x.astype(jnp.bfloat16).astype(jnp.float32)

    wee = _b16(wee_ref[...])
    ee_agg = (s0 * wee[0:1, :] + s1 * wee[1:2, :] + s2 * wee[2:3, :]
              + s3 * wee[3:4, :] + d0 * bee_ref[...])

    ne = _mm_b16(n0_ref[...], wne_ref[...]) + bne_ref[...]
    for i in range(3):
        agg = _mm(ee_agg, _b16(wm_ref[i])) + d0 * bm_ref[i]
        comb = jnp.concatenate([ne, agg], axis=1)
        ne = _lrelu(_mm_b16(comb, wu_ref[i]) + bu_ref[i])

    a1 = _lrelu(_mm_b16(ne, wo1_ref[...]) + bo1_ref[...])
    a2 = _lrelu(_mm_b16(a1, wo2_ref[...]) + bo2_ref[...])
    h_ref[...] = _mm_b16(a2, wo3_ref[...]) + bo3_ref[...]

    z0b = _mm_b16(n0_ref[...], wne_ref[...]) + bne_ref[...]
    t1b = _mm_b16(z0b, wo1_ref[...]) + bo1_ref[...]
    u1 = jnp.where(t1b >= 0, 1.0, _ALPHA)
    t2b = _mm_b16(_lrelu(t1b), wo2_ref[...]) + bo2_ref[...]
    u2 = jnp.where(t2b >= 0, 1.0, _ALPHA)
    g = wo3t_ref[...] * u2
    g = _dotT_b16(g, wo2_ref[...]) * u1
    g = _dotT_b16(g, wo1_ref[...])
    g_ref[...] = _dotT_b16(g, wne36_ref[...])


_dense_call = pl.pallas_call(
    _dense_body,
    out_shape=[jax.ShapeDtypeStruct((1, 1), jnp.float32),
               jax.ShapeDtypeStruct((1, 3), jnp.float32)],
)


@jax.jit
def kernel(nodes, edges, receivers, W_ne, b_ne, W_ee, b_ee, W_m, b_m,
           W_u, b_u, W_a, b_a, W_o1, b_o1, W_o2, b_o2, W_o3, b_o3):
    del W_a, b_a
    ecols = edges.astype(jnp.bfloat16).astype(jnp.float32).T.reshape(-1)
    part = _get_sc_edge_reduce()(receivers, ecols)
    h, grad = _dense_call(
        part, nodes[0:1], W_ne, b_ne.reshape(1, -1), W_ee,
        b_ee.reshape(1, -1), W_m, b_m.reshape(3, 1, -1), W_u,
        b_u.reshape(3, 1, -1), W_o1, b_o1.reshape(1, -1), W_o2,
        b_o2.reshape(1, -1), W_o3, b_o3.reshape(1, -1),
        W_o3.T, W_ne[3:6])
    return (h[0, 0], grad[0])

# --- scband reference (transcript-rebuilt; emitter-appended) ---
"""Pipeline reference for scband-gcbfgraph-net-90159953477735 (READ-ONLY COPY).

The authoritative reference and input builder live on the scoring server;
editing this copy changes nothing except your own understanding.
"""

import jax, jax.numpy as jnp
import numpy as np

N = 10000
E = 320000
D_FEAT = 128
D_EDGE = 4
H = 64
STEPS = 3
OUT = 1


def _dense(k, fan_in, fan_out):
    return jax.random.normal(k, (fan_in, fan_out), dtype=jnp.float32) * (1.0 / np.sqrt(fan_in))


def setup_inputs(seed: int = 0) -> dict:
    key = jax.random.key(seed)
    ks = jax.random.split(key, 20)
    nodes = jax.random.normal(ks[0], (N, D_FEAT), dtype=jnp.float32)
    edges = jax.random.normal(ks[1], (E, D_EDGE), dtype=jnp.float32)
    receivers = jax.random.randint(ks[2], (E,), 0, N, dtype=jnp.int32)
    W_ne = _dense(ks[3], D_FEAT, H); b_ne = jnp.zeros((H,), jnp.float32)
    W_ee = _dense(ks[4], D_EDGE, H); b_ee = jnp.zeros((H,), jnp.float32)
    W_m = jnp.stack([_dense(jax.random.fold_in(ks[5], i), H, H) for i in range(STEPS)])
    b_m = jnp.zeros((STEPS, H), jnp.float32)
    W_u = jnp.stack([_dense(jax.random.fold_in(ks[6], i), 2 * H, H) for i in range(STEPS)])
    b_u = jnp.zeros((STEPS, H), jnp.float32)
    W_a = _dense(ks[7], H, 1); b_a = jnp.zeros((1,), jnp.float32)
    W_o1 = _dense(ks[8], H, H); b_o1 = jnp.zeros((H,), jnp.float32)
    W_o2 = _dense(ks[9], H, H // 2); b_o2 = jnp.zeros((H // 2,), jnp.float32)
    W_o3 = _dense(ks[10], H // 2, OUT); b_o3 = jnp.zeros((OUT,), jnp.float32)
    return {"nodes": nodes, "edges": edges, "receivers": receivers,
            "W_ne": W_ne, "b_ne": b_ne, "W_ee": W_ee, "b_ee": b_ee,
            "W_m": W_m, "b_m": b_m, "W_u": W_u, "b_u": b_u,
            "W_a": W_a, "b_a": b_a,
            "W_o1": W_o1, "b_o1": b_o1, "W_o2": W_o2, "b_o2": b_o2,
            "W_o3": W_o3, "b_o3": b_o3}


def reference(nodes, edges, receivers, W_ne, b_ne, W_ee, b_ee, W_m, b_m, W_u, b_u,
              W_a, b_a, W_o1, b_o1, W_o2, b_o2, W_o3, b_o3):
    def out_net(e):
        h1 = jax.nn.leaky_relu(e @ W_o1 + b_o1)
        h2 = jax.nn.leaky_relu(h1 @ W_o2 + b_o2)
        return h2 @ W_o3 + b_o3

    ne = nodes @ W_ne + b_ne
    ee = edges @ W_ee + b_ee
    for i in range(STEPS):
        messages = ee @ W_m[i] + b_m[i]
        attention_weights = jax.nn.softmax(messages @ W_a + b_a, axis=-1)
        aggregated = jax.ops.segment_sum(messages * attention_weights, receivers, num_segments=N)
        combined = jnp.concatenate([ne, aggregated], axis=1)
        ne = jax.nn.leaky_relu(combined @ W_u[i] + b_u[i])

    drone_embedding = ne[0]
    h = out_net(drone_embedding)

    def cbf_fn(pos):
        modified_nodes = nodes.at[0, 3:6].set(pos)
        embedding = (modified_nodes @ W_ne + b_ne)[0]
        return out_net(embedding)

    drone_position = nodes[0, 3:6]
    grad_h = jax.grad(lambda pos: cbf_fn(pos).sum())(drone_position)
    return (jnp.squeeze(h), grad_h)

if __name__ == "__main__":
    import jax
    _d = setup_inputs()
    print(jax.jit(kernel)(*tuple(_d.values())))

</pallas_src>

<mosaic_0001>
#map = affine_map<(d0, d1) -> (0)>
#map1 = affine_map<(d0, d1) -> (0, 0)>
module attributes {stable_mosaic.version = 14 : i64} {
  func.func @_sc_edge_reduce(%arg0: i32, %arg1: i32, %arg2: memref<320000xi32, #tpu.memory_space<hbm>>, %arg3: memref<1280000xf32, #tpu.memory_space<hbm>>, %arg4: memref<32x80xf32, #tpu.memory_space<hbm>>, %arg5: memref<10000xi32, #tpu.memory_space<vmem>>, %arg6: memref<40000xf32, #tpu.memory_space<vmem>>, %arg7: memref<80xf32, #tpu.memory_space<vmem>>, %arg8: memref<!tpu.dma_semaphore, #tpu.memory_space<semaphore_mem>>, %arg9: memref<!tpu.dma_semaphore, #tpu.memory_space<semaphore_mem>>, %arg10: memref<!tpu.dma_semaphore, #tpu.memory_space<semaphore_mem>>) attributes {dimension_semantics = [#tpu.dimension_semantics<core_parallel>, #tpu.dimension_semantics<subcore_parallel>], iteration_bounds = array<i64: 2, 16>, scalar_prefetch = 0 : i64, scratch_operands = 6 : i64, tpu.core_type = #tpu.core_type<sc_vector_subcore>, window_params = [{transform_indices = #map}, {transform_indices = #map}, {transform_indices = #map1}]} {
    %mul3A = arith.constant 16 : i32
    %mul3A_0 = arith.muli %arg0, %mul3A : i32
    %add3A = arith.addi %mul3A_0, %arg1 : i32
    %mul3A_1 = arith.constant 10000 : i32
    %mul3A_2 = arith.muli %add3A, %mul3A_1 : i32
    %dma_start3A = tpu.memref_slice %arg2[%mul3A_2] : memref<320000xi32, #tpu.memory_space<hbm>> -> memref<10000xi32, #tpu.memory_space<hbm>>
    %dma_start3A_3 = tpu.memref_slice %arg2[%mul3A_2] : memref<320000xi32, #tpu.memory_space<hbm>> -> memref<10000xi32, #tpu.memory_space<hbm>>
    tpu.enqueue_dma source(%dma_start3A_3 : memref<10000xi32, #tpu.memory_space<hbm>>) target(%arg5 : memref<10000xi32, #tpu.memory_space<vmem>>) target_semaphore(%arg8 : memref<!tpu.dma_semaphore, #tpu.memory_space<semaphore_mem>>)
    %mul3A_4 = arith.constant 10000 : i32
    %mul3A_5 = arith.muli %add3A, %mul3A_4 : i32
    %add3A_6 = arith.constant 0 : i32
    %add3A_7 = arith.addi %add3A_6, %mul3A_5 : i32
    %dma_start3A_8 = arith.constant 0 : i32
    %dma_start3A_9 = tpu.memref_slice %arg6[%dma_start3A_8] : memref<40000xf32, #tpu.memory_space<vmem>> -> memref<5120xf32, #tpu.memory_space<vmem>>
    %dma_start3A_10 = tpu.memref_slice %arg3[%add3A_7] : memref<1280000xf32, #tpu.memory_space<hbm>> -> memref<5120xf32, #tpu.memory_space<hbm>>
    %dma_start3A_11 = arith.constant 0 : i32
    %dma_start3A_12 = tpu.memref_slice %arg6[%dma_start3A_11] : memref<40000xf32, #tpu.memory_space<vmem>> -> memref<5120xf32, #tpu.memory_space<vmem>>
    %dma_start3A_13 = tpu.memref_slice %arg3[%add3A_7] : memref<1280000xf32, #tpu.memory_space<hbm>> -> memref<5120xf32, #tpu.memory_space<hbm>>
    tpu.enqueue_dma source(%dma_start3A_13 : memref<5120xf32, #tpu.memory_space<hbm>>) target(%dma_start3A_12 : memref<5120xf32, #tpu.memory_space<vmem>>) target_semaphore(%arg9 : memref<!tpu.dma_semaphore, #tpu.memory_space<semaphore_mem>>)
    %add3A_14 = arith.constant 5120 : i32
    %add3A_15 = arith.addi %add3A_7, %add3A_14 : i32
    %dma_start3A_16 = arith.constant 5120 : i32
    %dma_start3A_17 = tpu.memref_slice %arg6[%dma_start3A_16] : memref<40000xf32, #tpu.memory_space<vmem>> -> memref<4880xf32, #tpu.memory_space<vmem>>
    %dma_start3A_18 = tpu.memref_slice %arg3[%add3A_15] : memref<1280000xf32, #tpu.memory_space<hbm>> -> memref<4880xf32, #tpu.memory_space<hbm>>
    %dma_start3A_19 = arith.constant 5120 : i32
    %dma_start3A_20 = tpu.memref_slice %arg6[%dma_start3A_19] : memref<40000xf32, #tpu.memory_space<vmem>> -> memref<4880xf32, #tpu.memory_space<vmem>>
    %dma_start3A_21 = tpu.memref_slice %arg3[%add3A_15] : memref<1280000xf32, #tpu.memory_space<hbm>> -> memref<4880xf32, #tpu.memory_space<hbm>>
    tpu.enqueue_dma source(%dma_start3A_21 : memref<4880xf32, #tpu.memory_space<hbm>>) target(%dma_start3A_20 : memref<4880xf32, #tpu.memory_space<vmem>>) target_semaphore(%arg10 : memref<!tpu.dma_semaphore, #tpu.memory_space<semaphore_mem>>)
    %mul3A_22 = arith.constant 10000 : i32
    %mul3A_23 = arith.muli %add3A, %mul3A_22 : i32
    %add3A_24 = arith.constant 320000 : i32
    %add3A_25 = arith.addi %add3A_24, %mul3A_23 : i32
    %dma_start3A_26 = arith.constant 10000 : i32
    %dma_start3A_27 = tpu.memref_slice %arg6[%dma_start3A_26] : memref<40000xf32, #tpu.memory_space<vmem>> -> memref<5120xf32, #tpu.memory_space<vmem>>
    %dma_start3A_28 = tpu.memref_slice %arg3[%add3A_25] : memref<1280000xf32, #tpu.memory_space<hbm>> -> memref<5120xf32, #tpu.memory_space<hbm>>
    %dma_start3A_29 = arith.constant 10000 : i32
    %dma_start3A_30 = tpu.memref_slice %arg6[%dma_start3A_29] : memref<40000xf32, #tpu.memory_space<vmem>> -> memref<5120xf32, #tpu.memory_space<vmem>>
    %dma_start3A_31 = tpu.memref_slice %arg3[%add3A_25] : memref<1280000xf32, #tpu.memory_space<hbm>> -> memref<5120xf32, #tpu.memory_space<hbm>>
    tpu.enqueue_dma source(%dma_start3A_31 : memref<5120xf32, #tpu.memory_space<hbm>>) target(%dma_start3A_30 : memref<5120xf32, #tpu.memory_space<vmem>>) target_semaphore(%arg9 : memref<!tpu.dma_semaphore, #tpu.memory_space<semaphore_mem>>)
    %add3A_32 = arith.constant 5120 : i32
    %add3A_33 = arith.addi %add3A_25, %add3A_32 : i32
    %dma_start3A_34 = arith.constant 15120 : i32
    %dma_start3A_35 = tpu.memref_slice %arg6[%dma_start3A_34] : memref<40000xf32, #tpu.memory_space<vmem>> -> memref<4880xf32, #tpu.memory_space<vmem>>
    %dma_start3A_36 = tpu.memref_slice %arg3[%add3A_33] : memref<1280000xf32, #tpu.memory_space<hbm>> -> memref<4880xf32, #tpu.memory_space<hbm>>
    %dma_start3A_37 = arith.constant 15120 : i32
    %dma_start3A_38 = tpu.memref_slice %arg6[%dma_start3A_37] : memref<40000xf32, #tpu.memory_space<vmem>> -> memref<4880xf32, #tpu.memory_space<vmem>>
    %dma_start3A_39 = tpu.memref_slice %arg3[%add3A_33] : memref<1280000xf32, #tpu.memory_space<hbm>> -> memref<4880xf32, #tpu.memory_space<hbm>>
    tpu.enqueue_dma source(%dma_start3A_39 : memref<4880xf32, #tpu.memory_space<hbm>>) target(%dma_start3A_38 : memref<4880xf32, #tpu.memory_space<vmem>>) target_semaphore(%arg10 : memref<!tpu.dma_semaphore, #tpu.memory_space<semaphore_mem>>)
    %mul3A_40 = arith.constant 10000 : i32
    %mul3A_41 = arith.muli %add3A, %mul3A_40 : i32
    %add3A_42 = arith.constant 640000 : i32
    %add3A_43 = arith.addi %add3A_42, %mul3A_41 : i32
    %dma_start3A_44 = arith.constant 20000 : i32
    %dma_start3A_45 = tpu.memref_slice %arg6[%dma_start3A_44] : memref<40000xf32, #tpu.memory_space<vmem>> -> memref<5120xf32, #tpu.memory_space<vmem>>
    %dma_start3A_46 = tpu.memref_slice %arg3[%add3A_43] : memref<1280000xf32, #tpu.memory_space<hbm>> -> memref<5120xf32, #tpu.memory_space<hbm>>
    %dma_start3A_47 = arith.constant 20000 : i32
    %dma_start3A_48 = tpu.memref_slice %arg6[%dma_start3A_47] : memref<40000xf32, #tpu.memory_space<vmem>> -> memref<5120xf32, #tpu.memory_space<vmem>>
    %dma_start3A_49 = tpu.memref_slice %arg3[%add3A_43] : memref<1280000xf32, #tpu.memory_space<hbm>> -> memref<5120xf32, #tpu.memory_space<hbm>>
    tpu.enqueue_dma source(%dma_start3A_49 : memref<5120xf32, #tpu.memory_space<hbm>>) target(%dma_start3A_48 : memref<5120xf32, #tpu.memory_space<vmem>>) target_semaphore(%arg9 : memref<!tpu.dma_semaphore, #tpu.memory_space<semaphore_mem>>)
    %add3A_50 = arith.constant 5120 : i32
    %add3A_51 = arith.addi %add3A_43, %add3A_50 : i32
    %dma_start3A_52 = arith.constant 25120 : i32
    %dma_start3A_53 = tpu.memref_slice %arg6[%dma_start3A_52] : memref<40000xf32, #tpu.memory_space<vmem>> -> memref<4880xf32, #tpu.memory_space<vmem>>
    %dma_start3A_54 = tpu.memref_slice %arg3[%add3A_51] : memref<1280000xf32, #tpu.memory_space<hbm>> -> memref<4880xf32, #tpu.memory_space<hbm>>
    %dma_start3A_55 = arith.constant 25120 : i32
    %dma_start3A_56 = tpu.memref_slice %arg6[%dma_start3A_55] : memref<40000xf32, #tpu.memory_space<vmem>> -> memref<4880xf32, #tpu.memory_space<vmem>>
    %dma_start3A_57 = tpu.memref_slice %arg3[%add3A_51] : memref<1280000xf32, #tpu.memory_space<hbm>> -> memref<4880xf32, #tpu.memory_space<hbm>>
    tpu.enqueue_dma source(%dma_start3A_57 : memref<4880xf32, #tpu.memory_space<hbm>>) target(%dma_start3A_56 : memref<4880xf32, #tpu.memory_space<vmem>>) target_semaphore(%arg10 : memref<!tpu.dma_semaphore, #tpu.memory_space<semaphore_mem>>)
    %mul3A_58 = arith.constant 10000 : i32
    %mul3A_59 = arith.muli %add3A, %mul3A_58 : i32
    %add3A_60 = arith.constant 960000 : i32
    %add3A_61 = arith.addi %add3A_60, %mul3A_59 : i32
    %dma_start3A_62 = arith.constant 30000 : i32
    %dma_start3A_63 = tpu.memref_slice %arg6[%dma_start3A_62] : memref<40000xf32, #tpu.memory_space<vmem>> -> memref<5120xf32, #tpu.memory_space<vmem>>
    %dma_start3A_64 = tpu.memref_slice %arg3[%add3A_61] : memref<1280000xf32, #tpu.memory_space<hbm>> -> memref<5120xf32, #tpu.memory_space<hbm>>
    %dma_start3A_65 = arith.constant 30000 : i32
    %dma_start3A_66 = tpu.memref_slice %arg6[%dma_start3A_65] : memref<40000xf32, #tpu.memory_space<vmem>> -> memref<5120xf32, #tpu.memory_space<vmem>>
    %dma_start3A_67 = tpu.memref_slice %arg3[%add3A_61] : memref<1280000xf32, #tpu.memory_space<hbm>> -> memref<5120xf32, #tpu.memory_space<hbm>>
    tpu.enqueue_dma source(%dma_start3A_67 : memref<5120xf32, #tpu.memory_space<hbm>>) target(%dma_start3A_66 : memref<5120xf32, #tpu.memory_space<vmem>>) target_semaphore(%arg9 : memref<!tpu.dma_semaphore, #tpu.memory_space<semaphore_mem>>)
    %add3A_68 = arith.constant 5120 : i32
    %add3A_69 = arith.addi %add3A_61, %add3A_68 : i32
    %dma_start3A_70 = arith.constant 35120 : i32
    %dma_start3A_71 = tpu.memref_slice %arg6[%dma_start3A_70] : memref<40000xf32, #tpu.memory_space<vmem>> -> memref<4880xf32, #tpu.memory_space<vmem>>
    %dma_start3A_72 = tpu.memref_slice %arg3[%add3A_69] : memref<1280000xf32, #tpu.memory_space<hbm>> -> memref<4880xf32, #tpu.memory_space<hbm>>
    %dma_start3A_73 = arith.constant 35120 : i32
    %dma_start3A_74 = tpu.memref_slice %arg6[%dma_start3A_73] : memref<40000xf32, #tpu.memory_space<vmem>> -> memref<4880xf32, #tpu.memory_space<vmem>>
    %dma_start3A_75 = tpu.memref_slice %arg3[%add3A_69] : memref<1280000xf32, #tpu.memory_space<hbm>> -> memref<4880xf32, #tpu.memory_space<hbm>>
    tpu.enqueue_dma source(%dma_start3A_75 : memref<4880xf32, #tpu.memory_space<hbm>>) target(%dma_start3A_74 : memref<4880xf32, #tpu.memory_space<vmem>>) target_semaphore(%arg10 : memref<!tpu.dma_semaphore, #tpu.memory_space<semaphore_mem>>)
    %dma_wait3A = tpu.memref_slice %arg2[%mul3A_2] : memref<320000xi32, #tpu.memory_space<hbm>> -> memref<10000xi32, #tpu.memory_space<hbm>>
    %dma_wait3A_76 = tpu.memref_slice %arg2[%mul3A_2] : memref<320000xi32, #tpu.memory_space<hbm>> -> memref<10000xi32, #tpu.memory_space<hbm>>
    tpu.wait_dma2 semaphore(%arg8 : memref<!tpu.dma_semaphore, #tpu.memory_space<semaphore_mem>>) src(%dma_wait3A_76 : memref<10000xi32, #tpu.memory_space<hbm>>) dst(%arg5 : memref<10000xi32, #tpu.memory_space<vmem>>)
    %dma_wait3A_77 = arith.constant 0 : i32
    %dma_wait3A_78 = tpu.memref_slice %arg6[%dma_wait3A_77] : memref<40000xf32, #tpu.memory_space<vmem>> -> memref<5120xf32, #tpu.memory_space<vmem>>
    %dma_wait3A_79 = tpu.memref_slice %arg3[%add3A_7] : memref<1280000xf32, #tpu.memory_space<hbm>> -> memref<5120xf32, #tpu.memory_space<hbm>>
    %dma_wait3A_80 = arith.constant 0 : i32
    %dma_wait3A_81 = tpu.memref_slice %arg6[%dma_wait3A_80] : memref<40000xf32, #tpu.memory_space<vmem>> -> memref<5120xf32, #tpu.memory_space<vmem>>
    %dma_wait3A_82 = tpu.memref_slice %arg3[%add3A_7] : memref<1280000xf32, #tpu.memory_space<hbm>> -> memref<5120xf32, #tpu.memory_space<hbm>>
    tpu.wait_dma2 semaphore(%arg9 : memref<!tpu.dma_semaphore, #tpu.memory_space<semaphore_mem>>) src(%dma_wait3A_82 : memref<5120xf32, #tpu.memory_space<hbm>>) dst(%dma_wait3A_81 : memref<5120xf32, #tpu.memory_space<vmem>>)
    %dma_wait3A_83 = arith.constant 10000 : i32
    %dma_wait3A_84 = tpu.memref_slice %arg6[%dma_wait3A_83] : memref<40000xf32, #tpu.memory_space<vmem>> -> memref<5120xf32, #tpu.memory_space<vmem>>
    %dma_wait3A_85 = tpu.memref_slice %arg3[%add3A_25] : memref<1280000xf32, #tpu.memory_space<hbm>> -> memref<5120xf32, #tpu.memory_space<hbm>>
    %dma_wait3A_86 = arith.constant 10000 : i32
    %dma_wait3A_87 = tpu.memref_slice %arg6[%dma_wait3A_86] : memref<40000xf32, #tpu.memory_space<vmem>> -> memref<5120xf32, #tpu.memory_space<vmem>>
    %dma_wait3A_88 = tpu.memref_slice %arg3[%add3A_25] : memref<1280000xf32, #tpu.memory_space<hbm>> -> memref<5120xf32, #tpu.memory_space<hbm>>
    tpu.wait_dma2 semaphore(%arg9 : memref<!tpu.dma_semaphore, #tpu.memory_space<semaphore_mem>>) src(%dma_wait3A_88 : memref<5120xf32, #tpu.memory_space<hbm>>) dst(%dma_wait3A_87 : memref<5120xf32, #tpu.memory_space<vmem>>)
    %dma_wait3A_89 = arith.constant 20000 : i32
    %dma_wait3A_90 = tpu.memref_slice %arg6[%dma_wait3A_89] : memref<40000xf32, #tpu.memory_space<vmem>> -> memref<5120xf32, #tpu.memory_space<vmem>>
    %dma_wait3A_91 = tpu.memref_slice %arg3[%add3A_43] : memref<1280000xf32, #tpu.memory_space<hbm>> -> memref<5120xf32, #tpu.memory_space<hbm>>
    %dma_wait3A_92 = arith.constant 20000 : i32
    %dma_wait3A_93 = tpu.memref_slice %arg6[%dma_wait3A_92] : memref<40000xf32, #tpu.memory_space<vmem>> -> memref<5120xf32, #tpu.memory_space<vmem>>
    %dma_wait3A_94 = tpu.memref_slice %arg3[%add3A_43] : memref<1280000xf32, #tpu.memory_space<hbm>> -> memref<5120xf32, #tpu.memory_space<hbm>>
    tpu.wait_dma2 semaphore(%arg9 : memref<!tpu.dma_semaphore, #tpu.memory_space<semaphore_mem>>) src(%dma_wait3A_94 : memref<5120xf32, #tpu.memory_space<hbm>>) dst(%dma_wait3A_93 : memref<5120xf32, #tpu.memory_space<vmem>>)
    %dma_wait3A_95 = arith.constant 30000 : i32
    %dma_wait3A_96 = tpu.memref_slice %arg6[%dma_wait3A_95] : memref<40000xf32, #tpu.memory_space<vmem>> -> memref<5120xf32, #tpu.memory_space<vmem>>
    %dma_wait3A_97 = tpu.memref_slice %arg3[%add3A_61] : memref<1280000xf32, #tpu.memory_space<hbm>> -> memref<5120xf32, #tpu.memory_space<hbm>>
    %dma_wait3A_98 = arith.constant 30000 : i32
    %dma_wait3A_99 = tpu.memref_slice %arg6[%dma_wait3A_98] : memref<40000xf32, #tpu.memory_space<vmem>> -> memref<5120xf32, #tpu.memory_space<vmem>>
    %dma_wait3A_100 = tpu.memref_slice %arg3[%add3A_61] : memref<1280000xf32, #tpu.memory_space<hbm>> -> memref<5120xf32, #tpu.memory_space<hbm>>
    tpu.wait_dma2 semaphore(%arg9 : memref<!tpu.dma_semaphore, #tpu.memory_space<semaphore_mem>>) src(%dma_wait3A_100 : memref<5120xf32, #tpu.memory_space<hbm>>) dst(%dma_wait3A_99 : memref<5120xf32, #tpu.memory_space<vmem>>)
    %broadcast_in_dim3A = arith.constant 0.000000e+00 : f32
    %broadcast_in_dim3A_101 = vector.broadcast %broadcast_in_dim3A : f32 to vector<16xf32>
    %broadcast_in_dim3A_102 = arith.constant 1.000000e+00 : f32
    %broadcast_in_dim3A_103 = vector.broadcast %broadcast_in_dim3A_102 : f32 to vector<16xf32>
    %broadcast_in_dim3A_104 = arith.constant 0 : i32
    %broadcast_in_dim3A_105 = vector.broadcast %broadcast_in_dim3A_104 : i32 to vector<16xi32>
    %scan3A = arith.constant 0 : i32
    %scan3A_106 = arith.constant 64 : i32
    %scan3A_107 = arith.addi %scan3A, %scan3A_106 : i32
    %scan3A_108 = arith.constant 1 : i32
    %scan3A_109:5 = scf.for %scan3A_160 = %scan3A to %scan3A_107 step %scan3A_108 iter_args(%scan3A_161 = %broadcast_in_dim3A_101, %scan3A_162 = %broadcast_in_dim3A_101, %scan3A_163 = %broadcast_in_dim3A_101, %scan3A_164 = %broadcast_in_dim3A_101, %scan3A_165 = %broadcast_in_dim3A_101) -> (vector<16xf32>, vector<16xf32>, vector<16xf32>, vector<16xf32>, vector<16xf32>)  : i32 {
      %mul3A_166 = arith.constant 5 : i32
      %mul3A_167 = arith.muli %scan3A_160, %mul3A_166 : i32
      %add3A_168 = arith.constant 0 : i32
      %add3A_169 = arith.addi %mul3A_167, %add3A_168 : i32
      %mul3A_170 = arith.constant 16 : i32
      %mul3A_171 = arith.muli %add3A_169, %mul3A_170 : i32
      %get3A = arith.index_cast %mul3A_171 : i32 to index
      %get3A_172 = tpu.vector_load %arg5[%get3A] {strides = array<i32>} : memref<10000xi32, #tpu.memory_space<vmem>>, vector<16xi32>,
      %get3A_173 = vector.shape_cast %get3A_172 : vector<16xi32> to vector<16xi32>
      %eq3A = arith.cmpi eq, %get3A_173, %broadcast_in_dim3A_105 : vector<16xi32>
      %select_n3A = arith.select %eq3A, %broadcast_in_dim3A_103, %broadcast_in_dim3A_101 : vector<16xi1>, vector<16xf32>
      %add3A_174 = arith.addf %scan3A_165, %select_n3A : vector<16xf32>
      %add3A_175 = arith.constant 0 : i32
      %add3A_176 = arith.addi %add3A_175, %mul3A_171 : i32
      %get3A_177 = arith.index_cast %add3A_176 : i32 to index
      %get3A_178 = tpu.vector_load %arg6[%get3A_177] {strides = array<i32>} : memref<40000xf32, #tpu.memory_space<vmem>>, vector<16xf32>,
      %get3A_179 = vector.shape_cast %get3A_178 : vector<16xf32> to vector<16xf32>
      %select_n3A_180 = arith.select %eq3A, %get3A_179, %broadcast_in_dim3A_101 : vector<16xi1>, vector<16xf32>
      %add3A_181 = arith.addf %scan3A_161, %select_n3A_180 : vector<16xf32>
      %add3A_182 = arith.constant 10000 : i32
      %add3A_183 = arith.addi %add3A_182, %mul3A_171 : i32
      %get3A_184 = arith.index_cast %add3A_183 : i32 to index
      %get3A_185 = tpu.vector_load %arg6[%get3A_184] {strides = array<i32>} : memref<40000xf32, #tpu.memory_space<vmem>>, vector<16xf32>,
      %get3A_186 = vector.shape_cast %get3A_185 : vector<16xf32> to vector<16xf32>
      %select_n3A_187 = arith.select %eq3A, %get3A_186, %broadcast_in_dim3A_101 : vector<16xi1>, vector<16xf32>
      %add3A_188 = arith.addf %scan3A_162, %select_n3A_187 : vector<16xf32>
      %add3A_189 = arith.constant 20000 : i32
      %add3A_190 = arith.addi %add3A_189, %mul3A_171 : i32
      %get3A_191 = arith.index_cast %add3A_190 : i32 to index
      %get3A_192 = tpu.vector_load %arg6[%get3A_191] {strides = array<i32>} : memref<40000xf32, #tpu.memory_space<vmem>>, vector<16xf32>,
      %get3A_193 = vector.shape_cast %get3A_192 : vector<16xf32> to vector<16xf32>
      %select_n3A_194 = arith.select %eq3A, %get3A_193, %broadcast_in_dim3A_101 : vector<16xi1>, vector<16xf32>
      %add3A_195 = arith.addf %scan3A_163, %select_n3A_194 : vector<16xf32>
      %add3A_196 = arith.constant 30000 : i32
      %add3A_197 = arith.addi %add3A_196, %mul3A_171 : i32
      %get3A_198 = arith.index_cast %add3A_197 : i32 to index
      %get3A_199 = tpu.vector_load %arg6[%get3A_198] {strides = array<i32>} : memref<40000xf32, #tpu.memory_space<vmem>>, vector<16xf32>,
      %get3A_200 = vector.shape_cast %get3A_199 : vector<16xf32> to vector<16xf32>
      %select_n3A_201 = arith.select %eq3A, %get3A_200, %broadcast_in_dim3A_101 : vector<16xi1>, vector<16xf32>
      %add3A_202 = arith.addf %scan3A_164, %select_n3A_201 : vector<16xf32>
      %mul3A_203 = arith.constant 5 : i32
      %mul3A_204 = arith.muli %scan3A_160, %mul3A_203 : i32
      %add3A_205 = arith.constant 1 : i32
      %add3A_206 = arith.addi %mul3A_204, %add3A_205 : i32
      %mul3A_207 = arith.constant 16 : i32
      %mul3A_208 = arith.muli %add3A_206, %mul3A_207 : i32
      %get3A_209 = arith.index_cast %mul3A_208 : i32 to index
      %get3A_210 = tpu.vector_load %arg5[%get3A_209] {strides = array<i32>} : memref<10000xi32, #tpu.memory_space<vmem>>, vector<16xi32>,
      %get3A_211 = vector.shape_cast %get3A_210 : vector<16xi32> to vector<16xi32>
      %eq3A_212 = arith.cmpi eq, %get3A_211, %broadcast_in_dim3A_105 : vector<16xi32>
      %select_n3A_213 = arith.select %eq3A_212, %broadcast_in_dim3A_103, %broadcast_in_dim3A_101 : vector<16xi1>, vector<16xf32>
      %add3A_214 = arith.addf %add3A_174, %select_n3A_213 : vector<16xf32>
      %add3A_215 = arith.constant 0 : i32
      %add3A_216 = arith.addi %add3A_215, %mul3A_208 : i32
      %get3A_217 = arith.index_cast %add3A_216 : i32 to index
      %get3A_218 = tpu.vector_load %arg6[%get3A_217] {strides = array<i32>} : memref<40000xf32, #tpu.memory_space<vmem>>, vector<16xf32>,
      %get3A_219 = vector.shape_cast %get3A_218 : vector<16xf32> to vector<16xf32>
      %select_n3A_220 = arith.select %eq3A_212, %get3A_219, %broadcast_in_dim3A_101 : vector<16xi1>, vector<16xf32>
      %add3A_221 = arith.addf %add3A_181, %select_n3A_220 : vector<16xf32>
      %add3A_222 = arith.constant 10000 : i32
      %add3A_223 = arith.addi %add3A_222, %mul3A_208 : i32
      %get3A_224 = arith.index_cast %add3A_223 : i32 to index
      %get3A_225 = tpu.vector_load %arg6[%get3A_224] {strides = array<i32>} : memref<40000xf32, #tpu.memory_space<vmem>>, vector<16xf32>,
      %get3A_226 = vector.shape_cast %get3A_225 : vector<16xf32> to vector<16xf32>
      %select_n3A_227 = arith.select %eq3A_212, %get3A_226, %broadcast_in_dim3A_101 : vector<16xi1>, vector<16xf32>
      %add3A_228 = arith.addf %add3A_188, %select_n3A_227 : vector<16xf32>
      %add3A_229 = arith.constant 20000 : i32
      %add3A_230 = arith.addi %add3A_229, %mul3A_208 : i32
      %get3A_231 = arith.index_cast %add3A_230 : i32 to index
      %get3A_232 = tpu.vector_load %arg6[%get3A_231] {strides = array<i32>} : memref<40000xf32, #tpu.memory_space<vmem>>, vector<16xf32>,
      %get3A_233 = vector.shape_cast %get3A_232 : vector<16xf32> to vector<16xf32>
      %select_n3A_234 = arith.select %eq3A_212, %get3A_233, %broadcast_in_dim3A_101 : vector<16xi1>, vector<16xf32>
      %add3A_235 = arith.addf %add3A_195, %select_n3A_234 : vector<16xf32>
      %add3A_236 = arith.constant 30000 : i32
      %add3A_237 = arith.addi %add3A_236, %mul3A_208 : i32
      %get3A_238 = arith.index_cast %add3A_237 : i32 to index
      %get3A_239 = tpu.vector_load %arg6[%get3A_238] {strides = array<i32>} : memref<40000xf32, #tpu.memory_space<vmem>>, vector<16xf32>,
      %get3A_240 = vector.shape_cast %get3A_239 : vector<16xf32> to vector<16xf32>
      %select_n3A_241 = arith.select %eq3A_212, %get3A_240, %broadcast_in_dim3A_101 : vector<16xi1>, vector<16xf32>
      %add3A_242 = arith.addf %add3A_202, %select_n3A_241 : vector<16xf32>
      %mul3A_243 = arith.constant 5 : i32
      %mul3A_244 = arith.muli %scan3A_160, %mul3A_243 : i32
      %add3A_245 = arith.constant 2 : i32
      %add3A_246 = arith.addi %mul3A_244, %add3A_245 : i32
      %mul3A_247 = arith.constant 16 : i32
      %mul3A_248 = arith.muli %add3A_246, %mul3A_247 : i32
      %get3A_249 = arith.index_cast %mul3A_248 : i32 to index
      %get3A_250 = tpu.vector_load %arg5[%get3A_249] {strides = array<i32>} : memref<10000xi32, #tpu.memory_space<vmem>>, vector<16xi32>,
      %get3A_251 = vector.shape_cast %get3A_250 : vector<16xi32> to vector<16xi32>
      %eq3A_252 = arith.cmpi eq, %get3A_251, %broadcast_in_dim3A_105 : vector<16xi32>
      %select_n3A_253 = arith.select %eq3A_252, %broadcast_in_dim3A_103, %broadcast_in_dim3A_101 : vector<16xi1>, vector<16xf32>
      %add3A_254 = arith.addf %add3A_214, %select_n3A_253 : vector<16xf32>
      %add3A_255 = arith.constant 0 : i32
      %add3A_256 = arith.addi %add3A_255, %mul3A_248 : i32
      %get3A_257 = arith.index_cast %add3A_256 : i32 to index
      %get3A_258 = tpu.vector_load %arg6[%get3A_257] {strides = array<i32>} : memref<40000xf32, #tpu.memory_space<vmem>>, vector<16xf32>,
      %get3A_259 = vector.shape_cast %get3A_258 : vector<16xf32> to vector<16xf32>
      %select_n3A_260 = arith.select %eq3A_252, %get3A_259, %broadcast_in_dim3A_101 : vector<16xi1>, vector<16xf32>
      %add3A_261 = arith.addf %add3A_221, %select_n3A_260 : vector<16xf32>
      %add3A_262 = arith.constant 10000 : i32
      %add3A_263 = arith.addi %add3A_262, %mul3A_248 : i32
      %get3A_264 = arith.index_cast %add3A_263 : i32 to index
      %get3A_265 = tpu.vector_load %arg6[%get3A_264] {strides = array<i32>} : memref<40000xf32, #tpu.memory_space<vmem>>, vector<16xf32>,
      %get3A_266 = vector.shape_cast %get3A_265 : vector<16xf32> to vector<16xf32>
      %select_n3A_267 = arith.select %eq3A_252, %get3A_266, %broadcast_in_dim3A_101 : vector<16xi1>, vector<16xf32>
      %add3A_268 = arith.addf %add3A_228, %select_n3A_267 : vector<16xf32>
      %add3A_269 = arith.constant 20000 : i32
      %add3A_270 = arith.addi %add3A_269, %mul3A_248 : i32
      %get3A_271 = arith.index_cast %add3A_270 : i32 to index
      %get3A_272 = tpu.vector_load %arg6[%get3A_271] {strides = array<i32>} : memref<40000xf32, #tpu.memory_space<vmem>>, vector<16xf32>,
      %get3A_273 = vector.shape_cast %get3A_272 : vector<16xf32> to vector<16xf32>
      %select_n3A_274 = arith.select %eq3A_252, %get3A_273, %broadcast_in_dim3A_101 : vector<16xi1>, vector<16xf32>
      %add3A_275 = arith.addf %add3A_235, %select_n3A_274 : vector<16xf32>
      %add3A_276 = arith.constant 30000 : i32
      %add3A_277 = arith.addi %add3A_276, %mul3A_248 : i32
      %get3A_278 = arith.index_cast %add3A_277 : i32 to index
      %get3A_279 = tpu.vector_load %arg6[%get3A_278] {strides = array<i32>} : memref<40000xf32, #tpu.memory_space<vmem>>, vector<16xf32>,
      %get3A_280 = vector.shape_cast %get3A_279 : vector<16xf32> to vector<16xf32>
      %select_n3A_281 = arith.select %eq3A_252, %get3A_280, %broadcast_in_dim3A_101 : vector<16xi1>, vector<16xf32>
      %add3A_282 = arith.addf %add3A_242, %select_n3A_281 : vector<16xf32>
      %mul3A_283 = arith.constant 5 : i32
      %mul3A_284 = arith.muli %scan3A_160, %mul3A_283 : i32
      %add3A_285 = arith.constant 3 : i32
      %add3A_286 = arith.addi %mul3A_284, %add3A_285 : i32
      %mul3A_287 = arith.constant 16 : i32
      %mul3A_288 = arith.muli %add3A_286, %mul3A_287 : i32
      %get3A_289 = arith.index_cast %mul3A_288 : i32 to index
      %get3A_290 = tpu.vector_load %arg5[%get3A_289] {strides = array<i32>} : memref<10000xi32, #tpu.memory_space<vmem>>, vector<16xi32>,
      %get3A_291 = vector.shape_cast %get3A_290 : vector<16xi32> to vector<16xi32>
      %eq3A_292 = arith.cmpi eq, %get3A_291, %broadcast_in_dim3A_105 : vector<16xi32>
      %select_n3A_293 = arith.select %eq3A_292, %broadcast_in_dim3A_103, %broadcast_in_dim3A_101 : vector<16xi1>, vector<16xf32>
      %add3A_294 = arith.addf %add3A_254, %select_n3A_293 : vector<16xf32>
      %add3A_295 = arith.constant 0 : i32
      %add3A_296 = arith.addi %add3A_295, %mul3A_288 : i32
      %get3A_297 = arith.index_cast %add3A_296 : i32 to index
      %get3A_298 = tpu.vector_load %arg6[%get3A_297] {strides = array<i32>} : memref<40000xf32, #tpu.memory_space<vmem>>, vector<16xf32>,
      %get3A_299 = vector.shape_cast %get3A_298 : vector<16xf32> to vector<16xf32>
      %select_n3A_300 = arith.select %eq3A_292, %get3A_299, %broadcast_in_dim3A_101 : vector<16xi1>, vector<16xf32>
      %add3A_301 = arith.addf %add3A_261, %select_n3A_300 : vector<16xf32>
      %add3A_302 = arith.constant 10000 : i32
      %add3A_303 = arith.addi %add3A_302, %mul3A_288 : i32
      %get3A_304 = arith.index_cast %add3A_303 : i32 to index
      %get3A_305 = tpu.vector_load %arg6[%get3A_304] {strides = array<i32>} : memref<40000xf32, #tpu.memory_space<vmem>>, vector<16xf32>,
      %get3A_306 = vector.shape_cast %get3A_305 : vector<16xf32> to vector<16xf32>
      %select_n3A_307 = arith.select %eq3A_292, %get3A_306, %broadcast_in_dim3A_101 : vector<16xi1>, vector<16xf32>
      %add3A_308 = arith.addf %add3A_268, %select_n3A_307 : vector<16xf32>
      %add3A_309 = arith.constant 20000 : i32
      %add3A_310 = arith.addi %add3A_309, %mul3A_288 : i32
      %get3A_311 = arith.index_cast %add3A_310 : i32 to index
      %get3A_312 = tpu.vector_load %arg6[%get3A_311] {strides = array<i32>} : memref<40000xf32, #tpu.memory_space<vmem>>, vector<16xf32>,
      %get3A_313 = vector.shape_cast %get3A_312 : vector<16xf32> to vector<16xf32>
      %select_n3A_314 = arith.select %eq3A_292, %get3A_313, %broadcast_in_dim3A_101 : vector<16xi1>, vector<16xf32>
      %add3A_315 = arith.addf %add3A_275, %select_n3A_314 : vector<16xf32>
      %add3A_316 = arith.constant 30000 : i32
      %add3A_317 = arith.addi %add3A_316, %mul3A_288 : i32
      %get3A_318 = arith.index_cast %add3A_317 : i32 to index
      %get3A_319 = tpu.vector_load %arg6[%get3A_318] {strides = array<i32>} : memref<40000xf32, #tpu.memory_space<vmem>>, vector<16xf32>,
      %get3A_320 = vector.shape_cast %get3A_319 : vector<16xf32> to vector<16xf32>
      %select_n3A_321 = arith.select %eq3A_292, %get3A_320, %broadcast_in_dim3A_101 : vector<16xi1>, vector<16xf32>
      %add3A_322 = arith.addf %add3A_282, %select_n3A_321 : vector<16xf32>
      %mul3A_323 = arith.constant 5 : i32
      %mul3A_324 = arith.muli %scan3A_160, %mul3A_323 : i32
      %add3A_325 = arith.constant 4 : i32
      %add3A_326 = arith.addi %mul3A_324, %add3A_325 : i32
      %mul3A_327 = arith.constant 16 : i32
      %mul3A_328 = arith.muli %add3A_326, %mul3A_327 : i32
      %get3A_329 = arith.index_cast %mul3A_328 : i32 to index
      %get3A_330 = tpu.vector_load %arg5[%get3A_329] {strides = array<i32>} : memref<10000xi32, #tpu.memory_space<vmem>>, vector<16xi32>,
      %get3A_331 = vector.shape_cast %get3A_330 : vector<16xi32> to vector<16xi32>
      %eq3A_332 = arith.cmpi eq, %get3A_331, %broadcast_in_dim3A_105 : vector<16xi32>
      %select_n3A_333 = arith.select %eq3A_332, %broadcast_in_dim3A_103, %broadcast_in_dim3A_101 : vector<16xi1>, vector<16xf32>
      %add3A_334 = arith.addf %add3A_294, %select_n3A_333 : vector<16xf32>
      %add3A_335 = arith.constant 0 : i32
      %add3A_336 = arith.addi %add3A_335, %mul3A_328 : i32
      %get3A_337 = arith.index_cast %add3A_336 : i32 to index
      %get3A_338 = tpu.vector_load %arg6[%get3A_337] {strides = array<i32>} : memref<40000xf32, #tpu.memory_space<vmem>>, vector<16xf32>,
      %get3A_339 = vector.shape_cast %get3A_338 : vector<16xf32> to vector<16xf32>
      %select_n3A_340 = arith.select %eq3A_332, %get3A_339, %broadcast_in_dim3A_101 : vector<16xi1>, vector<16xf32>
      %add3A_341 = arith.addf %add3A_301, %select_n3A_340 : vector<16xf32>
      %add3A_342 = arith.constant 10000 : i32
      %add3A_343 = arith.addi %add3A_342, %mul3A_328 : i32
      %get3A_344 = arith.index_cast %add3A_343 : i32 to index
      %get3A_345 = tpu.vector_load %arg6[%get3A_344] {strides = array<i32>} : memref<40000xf32, #tpu.memory_space<vmem>>, vector<16xf32>,
      %get3A_346 = vector.shape_cast %get3A_345 : vector<16xf32> to vector<16xf32>
      %select_n3A_347 = arith.select %eq3A_332, %get3A_346, %broadcast_in_dim3A_101 : vector<16xi1>, vector<16xf32>
      %add3A_348 = arith.addf %add3A_308, %select_n3A_347 : vector<16xf32>
      %add3A_349 = arith.constant 20000 : i32
      %add3A_350 = arith.addi %add3A_349, %mul3A_328 : i32
      %get3A_351 = arith.index_cast %add3A_350 : i32 to index
      %get3A_352 = tpu.vector_load %arg6[%get3A_351] {strides = array<i32>} : memref<40000xf32, #tpu.memory_space<vmem>>, vector<16xf32>,
      %get3A_353 = vector.shape_cast %get3A_352 : vector<16xf32> to vector<16xf32>
      %select_n3A_354 = arith.select %eq3A_332, %get3A_353, %broadcast_in_dim3A_101 : vector<16xi1>, vector<16xf32>
      %add3A_355 = arith.addf %add3A_315, %select_n3A_354 : vector<16xf32>
      %add3A_356 = arith.constant 30000 : i32
      %add3A_357 = arith.addi %add3A_356, %mul3A_328 : i32
      %get3A_358 = arith.index_cast %add3A_357 : i32 to index
      %get3A_359 = tpu.vector_load %arg6[%get3A_358] {strides = array<i32>} : memref<40000xf32, #tpu.memory_space<vmem>>, vector<16xf32>,
      %get3A_360 = vector.shape_cast %get3A_359 : vector<16xf32> to vector<16xf32>
      %select_n3A_361 = arith.select %eq3A_332, %get3A_360, %broadcast_in_dim3A_101 : vector<16xi1>, vector<16xf32>
      %add3A_362 = arith.addf %add3A_322, %select_n3A_361 : vector<16xf32>
      scf.yield %add3A_341, %add3A_348, %add3A_355, %add3A_362, %add3A_334 : vector<16xf32>, vector<16xf32>, vector<16xf32>, vector<16xf32>, vector<16xf32>
    }
    %scan3A_110 = arith.constant 64 : i32
    %dma_wait3A_111 = arith.constant 5120 : i32
    %dma_wait3A_112 = tpu.memref_slice %arg6[%dma_wait3A_111] : memref<40000xf32, #tpu.memory_space<vmem>> -> memref<4880xf32, #tpu.memory_space<vmem>>
    %dma_wait3A_113 = tpu.memref_slice %arg3[%add3A_15] : memref<1280000xf32, #tpu.memory_space<hbm>> -> memref<4880xf32, #tpu.memory_space<hbm>>
    %dma_wait3A_114 = arith.constant 5120 : i32
    %dma_wait3A_115 = tpu.memref_slice %arg6[%dma_wait3A_114] : memref<40000xf32, #tpu.memory_space<vmem>> -> memref<4880xf32, #tpu.memory_space<vmem>>
    %dma_wait3A_116 = tpu.memref_slice %arg3[%add3A_15] : memref<1280000xf32, #tpu.memory_space<hbm>> -> memref<4880xf32, #tpu.memory_space<hbm>>
    tpu.wait_dma2 semaphore(%arg10 : memref<!tpu.dma_semaphore, #tpu.memory_space<semaphore_mem>>) src(%dma_wait3A_116 : memref<4880xf32, #tpu.memory_space<hbm>>) dst(%dma_wait3A_115 : memref<4880xf32, #tpu.memory_space<vmem>>)
    %dma_wait3A_117 = arith.constant 15120 : i32
    %dma_wait3A_118 = tpu.memref_slice %arg6[%dma_wait3A_117] : memref<40000xf32, #tpu.memory_space<vmem>> -> memref<4880xf32, #tpu.memory_space<vmem>>
    %dma_wait3A_119 = tpu.memref_slice %arg3[%add3A_33] : memref<1280000xf32, #tpu.memory_space<hbm>> -> memref<4880xf32, #tpu.memory_space<hbm>>
    %dma_wait3A_120 = arith.constant 15120 : i32
    %dma_wait3A_121 = tpu.memref_slice %arg6[%dma_wait3A_120] : memref<40000xf32, #tpu.memory_space<vmem>> -> memref<4880xf32, #tpu.memory_space<vmem>>
    %dma_wait3A_122 = tpu.memref_slice %arg3[%add3A_33] : memref<1280000xf32, #tpu.memory_space<hbm>> -> memref<4880xf32, #tpu.memory_space<hbm>>
    tpu.wait_dma2 semaphore(%arg10 : memref<!tpu.dma_semaphore, #tpu.memory_space<semaphore_mem>>) src(%dma_wait3A_122 : memref<4880xf32, #tpu.memory_space<hbm>>) dst(%dma_wait3A_121 : memref<4880xf32, #tpu.memory_space<vmem>>)
    %dma_wait3A_123 = arith.constant 25120 : i32
    %dma_wait3A_124 = tpu.memref_slice %arg6[%dma_wait3A_123] : memref<40000xf32, #tpu.memory_space<vmem>> -> memref<4880xf32, #tpu.memory_space<vmem>>
    %dma_wait3A_125 = tpu.memref_slice %arg3[%add3A_51] : memref<1280000xf32, #tpu.memory_space<hbm>> -> memref<4880xf32, #tpu.memory_space<hbm>>
    %dma_wait3A_126 = arith.constant 25120 : i32
    %dma_wait3A_127 = tpu.memref_slice %arg6[%dma_wait3A_126] : memref<40000xf32, #tpu.memory_space<vmem>> -> memref<4880xf32, #tpu.memory_space<vmem>>
    %dma_wait3A_128 = tpu.memref_slice %arg3[%add3A_51] : memref<1280000xf32, #tpu.memory_space<hbm>> -> memref<4880xf32, #tpu.memory_space<hbm>>
    tpu.wait_dma2 semaphore(%arg10 : memref<!tpu.dma_semaphore, #tpu.memory_space<semaphore_mem>>) src(%dma_wait3A_128 : memref<4880xf32, #tpu.memory_space<hbm>>) dst(%dma_wait3A_127 : memref<4880xf32, #tpu.memory_space<vmem>>)
    %dma_wait3A_129 = arith.constant 35120 : i32
    %dma_wait3A_130 = tpu.memref_slice %arg6[%dma_wait3A_129] : memref<40000xf32, #tpu.memory_space<vmem>> -> memref<4880xf32, #tpu.memory_space<vmem>>
    %dma_wait3A_131 = tpu.memref_slice %arg3[%add3A_69] : memref<1280000xf32, #tpu.memory_space<hbm>> -> memref<4880xf32, #tpu.memory_space<hbm>>
    %dma_wait3A_132 = arith.constant 35120 : i32
    %dma_wait3A_133 = tpu.memref_slice %arg6[%dma_wait3A_132] : memref<40000xf32, #tpu.memory_space<vmem>> -> memref<4880xf32, #tpu.memory_space<vmem>>
    %dma_wait3A_134 = tpu.memref_slice %arg3[%add3A_69] : memref<1280000xf32, #tpu.memory_space<hbm>> -> memref<4880xf32, #tpu.memory_space<hbm>>
    tpu.wait_dma2 semaphore(%arg10 : memref<!tpu.dma_semaphore, #tpu.memory_space<semaphore_mem>>) src(%dma_wait3A_134 : memref<4880xf32, #tpu.memory_space<hbm>>) dst(%dma_wait3A_133 : memref<4880xf32, #tpu.memory_space<vmem>>)
    %scan3A_135 = arith.constant 64 : i32
    %scan3A_136 = arith.constant 61 : i32
    %scan3A_137 = arith.addi %scan3A_135, %scan3A_136 : i32
    %scan3A_138 = arith.constant 1 : i32
    %scan3A_139:5 = scf.for %scan3A_160 = %scan3A_135 to %scan3A_137 step %scan3A_138 iter_args(%scan3A_161 = %scan3A_109#0, %scan3A_162 = %scan3A_109#1, %scan3A_163 = %scan3A_109#2, %scan3A_164 = %scan3A_109#3, %scan3A_165 = %scan3A_109#4) -> (vector<16xf32>, vector<16xf32>, vector<16xf32>, vector<16xf32>, vector<16xf32>)  : i32 {
      %mul3A_166 = arith.constant 5 : i32
      %mul3A_167 = arith.muli %scan3A_160, %mul3A_166 : i32
      %add3A_168 = arith.constant 0 : i32
      %add3A_169 = arith.addi %mul3A_167, %add3A_168 : i32
      %mul3A_170 = arith.constant 16 : i32
      %mul3A_171 = arith.muli %add3A_169, %mul3A_170 : i32
      %get3A = arith.index_cast %mul3A_171 : i32 to index
      %get3A_172 = tpu.vector_load %arg5[%get3A] {strides = array<i32>} : memref<10000xi32, #tpu.memory_space<vmem>>, vector<16xi32>,
      %get3A_173 = vector.shape_cast %get3A_172 : vector<16xi32> to vector<16xi32>
      %eq3A = arith.cmpi eq, %get3A_173, %broadcast_in_dim3A_105 : vector<16xi32>
      %select_n3A = arith.select %eq3A, %broadcast_in_dim3A_103, %broadcast_in_dim3A_101 : vector<16xi1>, vector<16xf32>
      %add3A_174 = arith.addf %scan3A_165, %select_n3A : vector<16xf32>
      %add3A_175 = arith.constant 0 : i32
      %add3A_176 = arith.addi %add3A_175, %mul3A_171 : i32
      %get3A_177 = arith.index_cast %add3A_176 : i32 to index
      %get3A_178 = tpu.vector_load %arg6[%get3A_177] {strides = array<i32>} : memref<40000xf32, #tpu.memory_space<vmem>>, vector<16xf32>,
      %get3A_179 = vector.shape_cast %get3A_178 : vector<16xf32> to vector<16xf32>
      %select_n3A_180 = arith.select %eq3A, %get3A_179, %broadcast_in_dim3A_101 : vector<16xi1>, vector<16xf32>
      %add3A_181 = arith.addf %scan3A_161, %select_n3A_180 : vector<16xf32>
      %add3A_182 = arith.constant 10000 : i32
      %add3A_183 = arith.addi %add3A_182, %mul3A_171 : i32
      %get3A_184 = arith.index_cast %add3A_183 : i32 to index
      %get3A_185 = tpu.vector_load %arg6[%get3A_184] {strides = array<i32>} : memref<40000xf32, #tpu.memory_space<vmem>>, vector<16xf32>,
      %get3A_186 = vector.shape_cast %get3A_185 : vector<16xf32> to vector<16xf32>
      %select_n3A_187 = arith.select %eq3A, %get3A_186, %broadcast_in_dim3A_101 : vector<16xi1>, vector<16xf32>
      %add3A_188 = arith.addf %scan3A_162, %select_n3A_187 : vector<16xf32>
      %add3A_189 = arith.constant 20000 : i32
      %add3A_190 = arith.addi %add3A_189, %mul3A_171 : i32
      %get3A_191 = arith.index_cast %add3A_190 : i32 to index
      %get3A_192 = tpu.vector_load %arg6[%get3A_191] {strides = array<i32>} : memref<40000xf32, #tpu.memory_space<vmem>>, vector<16xf32>,
      %get3A_193 = vector.shape_cast %get3A_192 : vector<16xf32> to vector<16xf32>
      %select_n3A_194 = arith.select %eq3A, %get3A_193, %broadcast_in_dim3A_101 : vector<16xi1>, vector<16xf32>
      %add3A_195 = arith.addf %scan3A_163, %select_n3A_194 : vector<16xf32>
      %add3A_196 = arith.constant 30000 : i32
      %add3A_197 = arith.addi %add3A_196, %mul3A_171 : i32
      %get3A_198 = arith.index_cast %add3A_197 : i32 to index
      %get3A_199 = tpu.vector_load %arg6[%get3A_198] {strides = array<i32>} : memref<40000xf32, #tpu.memory_space<vmem>>, vector<16xf32>,
      %get3A_200 = vector.shape_cast %get3A_199 : vector<16xf32> to vector<16xf32>
      %select_n3A_201 = arith.select %eq3A, %get3A_200, %broadcast_in_dim3A_101 : vector<16xi1>, vector<16xf32>
      %add3A_202 = arith.addf %scan3A_164, %select_n3A_201 : vector<16xf32>
      %mul3A_203 = arith.constant 5 : i32
      %mul3A_204 = arith.muli %scan3A_160, %mul3A_203 : i32
      %add3A_205 = arith.constant 1 : i32
      %add3A_206 = arith.addi %mul3A_204, %add3A_205 : i32
      %mul3A_207 = arith.constant 16 : i32
      %mul3A_208 = arith.muli %add3A_206, %mul3A_207 : i32
      %get3A_209 = arith.index_cast %mul3A_208 : i32 to index
      %get3A_210 = tpu.vector_load %arg5[%get3A_209] {strides = array<i32>} : memref<10000xi32, #tpu.memory_space<vmem>>, vector<16xi32>,
      %get3A_211 = vector.shape_cast %get3A_210 : vector<16xi32> to vector<16xi32>
      %eq3A_212 = arith.cmpi eq, %get3A_211, %broadcast_in_dim3A_105 : vector<16xi32>
      %select_n3A_213 = arith.select %eq3A_212, %broadcast_in_dim3A_103, %broadcast_in_dim3A_101 : vector<16xi1>, vector<16xf32>
      %add3A_214 = arith.addf %add3A_174, %select_n3A_213 : vector<16xf32>
      %add3A_215 = arith.constant 0 : i32
      %add3A_216 = arith.addi %add3A_215, %mul3A_208 : i32
      %get3A_217 = arith.index_cast %add3A_216 : i32 to index
      %get3A_218 = tpu.vector_load %arg6[%get3A_217] {strides = array<i32>} : memref<40000xf32, #tpu.memory_space<vmem>>, vector<16xf32>,
      %get3A_219 = vector.shape_cast %get3A_218 : vector<16xf32> to vector<16xf32>
      %select_n3A_220 = arith.select %eq3A_212, %get3A_219, %broadcast_in_dim3A_101 : vector<16xi1>, vector<16xf32>
      %add3A_221 = arith.addf %add3A_181, %select_n3A_220 : vector<16xf32>
      %add3A_222 = arith.constant 10000 : i32
      %add3A_223 = arith.addi %add3A_222, %mul3A_208 : i32
      %get3A_224 = arith.index_cast %add3A_223 : i32 to index
      %get3A_225 = tpu.vector_load %arg6[%get3A_224] {strides = array<i32>} : memref<40000xf32, #tpu.memory_space<vmem>>, vector<16xf32>,
      %get3A_226 = vector.shape_cast %get3A_225 : vector<16xf32> to vector<16xf32>
      %select_n3A_227 = arith.select %eq3A_212, %get3A_226, %broadcast_in_dim3A_101 : vector<16xi1>, vector<16xf32>
      %add3A_228 = arith.addf %add3A_188, %select_n3A_227 : vector<16xf32>
      %add3A_229 = arith.constant 20000 : i32
      %add3A_230 = arith.addi %add3A_229, %mul3A_208 : i32
      %get3A_231 = arith.index_cast %add3A_230 : i32 to index
      %get3A_232 = tpu.vector_load %arg6[%get3A_231] {strides = array<i32>} : memref<40000xf32, #tpu.memory_space<vmem>>, vector<16xf32>,
      %get3A_233 = vector.shape_cast %get3A_232 : vector<16xf32> to vector<16xf32>
      %select_n3A_234 = arith.select %eq3A_212, %get3A_233, %broadcast_in_dim3A_101 : vector<16xi1>, vector<16xf32>
      %add3A_235 = arith.addf %add3A_195, %select_n3A_234 : vector<16xf32>
      %add3A_236 = arith.constant 30000 : i32
      %add3A_237 = arith.addi %add3A_236, %mul3A_208 : i32
      %get3A_238 = arith.index_cast %add3A_237 : i32 to index
      %get3A_239 = tpu.vector_load %arg6[%get3A_238] {strides = array<i32>} : memref<40000xf32, #tpu.memory_space<vmem>>, vector<16xf32>,
      %get3A_240 = vector.shape_cast %get3A_239 : vector<16xf32> to vector<16xf32>
      %select_n3A_241 = arith.select %eq3A_212, %get3A_240, %broadcast_in_dim3A_101 : vector<16xi1>, vector<16xf32>
      %add3A_242 = arith.addf %add3A_202, %select_n3A_241 : vector<16xf32>
      %mul3A_243 = arith.constant 5 : i32
      %mul3A_244 = arith.muli %scan3A_160, %mul3A_243 : i32
      %add3A_245 = arith.constant 2 : i32
      %add3A_246 = arith.addi %mul3A_244, %add3A_245 : i32
      %mul3A_247 = arith.constant 16 : i32
      %mul3A_248 = arith.muli %add3A_246, %mul3A_247 : i32
      %get3A_249 = arith.index_cast %mul3A_248 : i32 to index
      %get3A_250 = tpu.vector_load %arg5[%get3A_249] {strides = array<i32>} : memref<10000xi32, #tpu.memory_space<vmem>>, vector<16xi32>,
      %get3A_251 = vector.shape_cast %get3A_250 : vector<16xi32> to vector<16xi32>
      %eq3A_252 = arith.cmpi eq, %get3A_251, %broadcast_in_dim3A_105 : vector<16xi32>
      %select_n3A_253 = arith.select %eq3A_252, %broadcast_in_dim3A_103, %broadcast_in_dim3A_101 : vector<16xi1>, vector<16xf32>
      %add3A_254 = arith.addf %add3A_214, %select_n3A_253 : vector<16xf32>
      %add3A_255 = arith.constant 0 : i32
      %add3A_256 = arith.addi %add3A_255, %mul3A_248 : i32
      %get3A_257 = arith.index_cast %add3A_256 : i32 to index
      %get3A_258 = tpu.vector_load %arg6[%get3A_257] {strides = array<i32>} : memref<40000xf32, #tpu.memory_space<vmem>>, vector<16xf32>,
      %get3A_259 = vector.shape_cast %get3A_258 : vector<16xf32> to vector<16xf32>
      %select_n3A_260 = arith.select %eq3A_252, %get3A_259, %broadcast_in_dim3A_101 : vector<16xi1>, vector<16xf32>
      %add3A_261 = arith.addf %add3A_221, %select_n3A_260 : vector<16xf32>
      %add3A_262 = arith.constant 10000 : i32
      %add3A_263 = arith.addi %add3A_262, %mul3A_248 : i32
      %get3A_264 = arith.index_cast %add3A_263 : i32 to index
      %get3A_265 = tpu.vector_load %arg6[%get3A_264] {strides = array<i32>} : memref<40000xf32, #tpu.memory_space<vmem>>, vector<16xf32>,
      %get3A_266 = vector.shape_cast %get3A_265 : vector<16xf32> to vector<16xf32>
      %select_n3A_267 = arith.select %eq3A_252, %get3A_266, %broadcast_in_dim3A_101 : vector<16xi1>, vector<16xf32>
      %add3A_268 = arith.addf %add3A_228, %select_n3A_267 : vector<16xf32>
      %add3A_269 = arith.constant 20000 : i32
      %add3A_270 = arith.addi %add3A_269, %mul3A_248 : i32
      %get3A_271 = arith.index_cast %add3A_270 : i32 to index
      %get3A_272 = tpu.vector_load %arg6[%get3A_271] {strides = array<i32>} : memref<40000xf32, #tpu.memory_space<vmem>>, vector<16xf32>,
      %get3A_273 = vector.shape_cast %get3A_272 : vector<16xf32> to vector<16xf32>
      %select_n3A_274 = arith.select %eq3A_252, %get3A_273, %broadcast_in_dim3A_101 : vector<16xi1>, vector<16xf32>
      %add3A_275 = arith.addf %add3A_235, %select_n3A_274 : vector<16xf32>
      %add3A_276 = arith.constant 30000 : i32
      %add3A_277 = arith.addi %add3A_276, %mul3A_248 : i32
      %get3A_278 = arith.index_cast %add3A_277 : i32 to index
      %get3A_279 = tpu.vector_load %arg6[%get3A_278] {strides = array<i32>} : memref<40000xf32, #tpu.memory_space<vmem>>, vector<16xf32>,
      %get3A_280 = vector.shape_cast %get3A_279 : vector<16xf32> to vector<16xf32>
      %select_n3A_281 = arith.select %eq3A_252, %get3A_280, %broadcast_in_dim3A_101 : vector<16xi1>, vector<16xf32>
      %add3A_282 = arith.addf %add3A_242, %select_n3A_281 : vector<16xf32>
      %mul3A_283 = arith.constant 5 : i32
      %mul3A_284 = arith.muli %scan3A_160, %mul3A_283 : i32
      %add3A_285 = arith.constant 3 : i32
      %add3A_286 = arith.addi %mul3A_284, %add3A_285 : i32
      %mul3A_287 = arith.constant 16 : i32
      %mul3A_288 = arith.muli %add3A_286, %mul3A_287 : i32
      %get3A_289 = arith.index_cast %mul3A_288 : i32 to index
      %get3A_290 = tpu.vector_load %arg5[%get3A_289] {strides = array<i32>} : memref<10000xi32, #tpu.memory_space<vmem>>, vector<16xi32>,
      %get3A_291 = vector.shape_cast %get3A_290 : vector<16xi32> to vector<16xi32>
      %eq3A_292 = arith.cmpi eq, %get3A_291, %broadcast_in_dim3A_105 : vector<16xi32>
      %select_n3A_293 = arith.select %eq3A_292, %broadcast_in_dim3A_103, %broadcast_in_dim3A_101 : vector<16xi1>, vector<16xf32>
      %add3A_294 = arith.addf %add3A_254, %select_n3A_293 : vector<16xf32>
      %add3A_295 = arith.constant 0 : i32
      %add3A_296 = arith.addi %add3A_295, %mul3A_288 : i32
      %get3A_297 = arith.index_cast %add3A_296 : i32 to index
      %get3A_298 = tpu.vector_load %arg6[%get3A_297] {strides = array<i32>} : memref<40000xf32, #tpu.memory_space<vmem>>, vector<16xf32>,
      %get3A_299 = vector.shape_cast %get3A_298 : vector<16xf32> to vector<16xf32>
      %select_n3A_300 = arith.select %eq3A_292, %get3A_299, %broadcast_in_dim3A_101 : vector<16xi1>, vector<16xf32>
      %add3A_301 = arith.addf %add3A_261, %select_n3A_300 : vector<16xf32>
      %add3A_302 = arith.constant 10000 : i32
      %add3A_303 = arith.addi %add3A_302, %mul3A_288 : i32
      %get3A_304 = arith.index_cast %add3A_303 : i32 to index
      %get3A_305 = tpu.vector_load %arg6[%get3A_304] {strides = array<i32>} : memref<40000xf32, #tpu.memory_space<vmem>>, vector<16xf32>,
      %get3A_306 = vector.shape_cast %get3A_305 : vector<16xf32> to vector<16xf32>
      %select_n3A_307 = arith.select %eq3A_292, %get3A_306, %broadcast_in_dim3A_101 : vector<16xi1>, vector<16xf32>
      %add3A_308 = arith.addf %add3A_268, %select_n3A_307 : vector<16xf32>
      %add3A_309 = arith.constant 20000 : i32
      %add3A_310 = arith.addi %add3A_309, %mul3A_288 : i32
      %get3A_311 = arith.index_cast %add3A_310 : i32 to index
      %get3A_312 = tpu.vector_load %arg6[%get3A_311] {strides = array<i32>} : memref<40000xf32, #tpu.memory_space<vmem>>, vector<16xf32>,
      %get3A_313 = vector.shape_cast %get3A_312 : vector<16xf32> to vector<16xf32>
      %select_n3A_314 = arith.select %eq3A_292, %get3A_313, %broadcast_in_dim3A_101 : vector<16xi1>, vector<16xf32>
      %add3A_315 = arith.addf %add3A_275, %select_n3A_314 : vector<16xf32>
      %add3A_316 = arith.constant 30000 : i32
      %add3A_317 = arith.addi %add3A_316, %mul3A_288 : i32
      %get3A_318 = arith.index_cast %add3A_317 : i32 to index
      %get3A_319 = tpu.vector_load %arg6[%get3A_318] {strides = array<i32>} : memref<40000xf32, #tpu.memory_space<vmem>>, vector<16xf32>,
      %get3A_320 = vector.shape_cast %get3A_319 : vector<16xf32> to vector<16xf32>
      %select_n3A_321 = arith.select %eq3A_292, %get3A_320, %broadcast_in_dim3A_101 : vector<16xi1>, vector<16xf32>
      %add3A_322 = arith.addf %add3A_282, %select_n3A_321 : vector<16xf32>
      %mul3A_323 = arith.constant 5 : i32
      %mul3A_324 = arith.muli %scan3A_160, %mul3A_323 : i32
      %add3A_325 = arith.constant 4 : i32
      %add3A_326 = arith.addi %mul3A_324, %add3A_325 : i32
      %mul3A_327 = arith.constant 16 : i32
      %mul3A_328 = arith.muli %add3A_326, %mul3A_327 : i32
      %get3A_329 = arith.index_cast %mul3A_328 : i32 to index
      %get3A_330 = tpu.vector_load %arg5[%get3A_329] {strides = array<i32>} : memref<10000xi32, #tpu.memory_space<vmem>>, vector<16xi32>,
      %get3A_331 = vector.shape_cast %get3A_330 : vector<16xi32> to vector<16xi32>
      %eq3A_332 = arith.cmpi eq, %get3A_331, %broadcast_in_dim3A_105 : vector<16xi32>
      %select_n3A_333 = arith.select %eq3A_332, %broadcast_in_dim3A_103, %broadcast_in_dim3A_101 : vector<16xi1>, vector<16xf32>
      %add3A_334 = arith.addf %add3A_294, %select_n3A_333 : vector<16xf32>
      %add3A_335 = arith.constant 0 : i32
      %add3A_336 = arith.addi %add3A_335, %mul3A_328 : i32
      %get3A_337 = arith.index_cast %add3A_336 : i32 to index
      %get3A_338 = tpu.vector_load %arg6[%get3A_337] {strides = array<i32>} : memref<40000xf32, #tpu.memory_space<vmem>>, vector<16xf32>,
      %get3A_339 = vector.shape_cast %get3A_338 : vector<16xf32> to vector<16xf32>
      %select_n3A_340 = arith.select %eq3A_332, %get3A_339, %broadcast_in_dim3A_101 : vector<16xi1>, vector<16xf32>
      %add3A_341 = arith.addf %add3A_301, %select_n3A_340 : vector<16xf32>
      %add3A_342 = arith.constant 10000 : i32
      %add3A_343 = arith.addi %add3A_342, %mul3A_328 : i32
      %get3A_344 = arith.index_cast %add3A_343 : i32 to index
      %get3A_345 = tpu.vector_load %arg6[%get3A_344] {strides = array<i32>} : memref<40000xf32, #tpu.memory_space<vmem>>, vector<16xf32>,
      %get3A_346 = vector.shape_cast %get3A_345 : vector<16xf32> to vector<16xf32>
      %select_n3A_347 = arith.select %eq3A_332, %get3A_346, %broadcast_in_dim3A_101 : vector<16xi1>, vector<16xf32>
      %add3A_348 = arith.addf %add3A_308, %select_n3A_347 : vector<16xf32>
      %add3A_349 = arith.constant 20000 : i32
      %add3A_350 = arith.addi %add3A_349, %mul3A_328 : i32
      %get3A_351 = arith.index_cast %add3A_350 : i32 to index
      %get3A_352 = tpu.vector_load %arg6[%get3A_351] {strides = array<i32>} : memref<40000xf32, #tpu.memory_space<vmem>>, vector<16xf32>,
      %get3A_353 = vector.shape_cast %get3A_352 : vector<16xf32> to vector<16xf32>
      %select_n3A_354 = arith.select %eq3A_332, %get3A_353, %broadcast_in_dim3A_101 : vector<16xi1>, vector<16xf32>
      %add3A_355 = arith.addf %add3A_315, %select_n3A_354 : vector<16xf32>
      %add3A_356 = arith.constant 30000 : i32
      %add3A_357 = arith.addi %add3A_356, %mul3A_328 : i32
      %get3A_358 = arith.index_cast %add3A_357 : i32 to index
      %get3A_359 = tpu.vector_load %arg6[%get3A_358] {strides = array<i32>} : memref<40000xf32, #tpu.memory_space<vmem>>, vector<16xf32>,
      %get3A_360 = vector.shape_cast %get3A_359 : vector<16xf32> to vector<16xf32>
      %select_n3A_361 = arith.select %eq3A_332, %get3A_360, %broadcast_in_dim3A_101 : vector<16xi1>, vector<16xf32>
      %add3A_362 = arith.addf %add3A_322, %select_n3A_361 : vector<16xf32>
      scf.yield %add3A_341, %add3A_348, %add3A_355, %add3A_362, %add3A_334 : vector<16xf32>, vector<16xf32>, vector<16xf32>, vector<16xf32>, vector<16xf32>
    }
    %scan3A_140 = arith.constant 61 : i32
    %swap3A = arith.constant 0 : index
    %swap3A_141 = tpu.vector_load %arg7[%swap3A] {strides = array<i32>} : memref<80xf32, #tpu.memory_space<vmem>>, vector<16xf32>,
    %swap3A_142 = vector.shape_cast %swap3A_141 : vector<16xf32> to vector<16xf32>
    %swap3A_143 = vector.shape_cast %scan3A_139#0 : vector<16xf32> to vector<16xf32>
    tpu.vector_store %arg7[%swap3A], %swap3A_143 {strides = array<i32>} : memref<80xf32, #tpu.memory_space<vmem>>, vector<16xf32>,
    %swap3A_144 = arith.constant 16 : index
    %swap3A_145 = tpu.vector_load %arg7[%swap3A_144] {strides = array<i32>} : memref<80xf32, #tpu.memory_space<vmem>>, vector<16xf32>,
    %swap3A_146 = vector.shape_cast %swap3A_145 : vector<16xf32> to vector<16xf32>
    %swap3A_147 = vector.shape_cast %scan3A_139#1 : vector<16xf32> to vector<16xf32>
    tpu.vector_store %arg7[%swap3A_144], %swap3A_147 {strides = array<i32>} : memref<80xf32, #tpu.memory_space<vmem>>, vector<16xf32>,
    %swap3A_148 = arith.constant 32 : index
    %swap3A_149 = tpu.vector_load %arg7[%swap3A_148] {strides = array<i32>} : memref<80xf32, #tpu.memory_space<vmem>>, vector<16xf32>,
    %swap3A_150 = vector.shape_cast %swap3A_149 : vector<16xf32> to vector<16xf32>
    %swap3A_151 = vector.shape_cast %scan3A_139#2 : vector<16xf32> to vector<16xf32>
    tpu.vector_store %arg7[%swap3A_148], %swap3A_151 {strides = array<i32>} : memref<80xf32, #tpu.memory_space<vmem>>, vector<16xf32>,
    %swap3A_152 = arith.constant 48 : index
    %swap3A_153 = tpu.vector_load %arg7[%swap3A_152] {strides = array<i32>} : memref<80xf32, #tpu.memory_space<vmem>>, vector<16xf32>,
    %swap3A_154 = vector.shape_cast %swap3A_153 : vector<16xf32> to vector<16xf32>
    %swap3A_155 = vector.shape_cast %scan3A_139#3 : vector<16xf32> to vector<16xf32>
    tpu.vector_store %arg7[%swap3A_152], %swap3A_155 {strides = array<i32>} : memref<80xf32, #tpu.memory_space<vmem>>, vector<16xf32>,
    %swap3A_156 = arith.constant 64 : index
    %swap3A_157 = tpu.vector_load %arg7[%swap3A_156] {strides = array<i32>} : memref<80xf32, #tpu.memory_space<vmem>>, vector<16xf32>,
    %swap3A_158 = vector.shape_cast %swap3A_157 : vector<16xf32> to vector<16xf32>
    %swap3A_159 = vector.shape_cast %scan3A_139#4 : vector<16xf32> to vector<16xf32>
    tpu.vector_store %arg7[%swap3A_156], %swap3A_159 {strides = array<i32>} : memref<80xf32, #tpu.memory_space<vmem>>, vector<16xf32>,
    "tpu.region"() ({
      %run_scoped3A = tpu.sem_alloc : memref<!tpu.dma_semaphore, #tpu.memory_space<semaphore_mem>>
      %dma_start3A_160 = arith.constant 0 : i32
      %dma_start3A_161 = tpu.memref_slice %arg4[%add3A, %dma_start3A_160] : memref<32x80xf32, #tpu.memory_space<hbm>> -> memref<1x80xf32, #tpu.memory_space<hbm>>
      %dma_start3A_162 = tpu.memref_squeeze %dma_start3A_161 : memref<1x80xf32, #tpu.memory_space<hbm>> -> memref<80xf32, #tpu.memory_space<hbm>>
      %dma_start3A_163 = arith.constant 0 : i32
      %dma_start3A_164 = tpu.memref_slice %arg4[%add3A, %dma_start3A_163] : memref<32x80xf32, #tpu.memory_space<hbm>> -> memref<1x80xf32, #tpu.memory_space<hbm>>
      %dma_start3A_165 = tpu.memref_squeeze %dma_start3A_164 : memref<1x80xf32, #tpu.memory_space<hbm>> -> memref<80xf32, #tpu.memory_space<hbm>>
      tpu.enqueue_dma source(%arg7 : memref<80xf32, #tpu.memory_space<vmem>>) target(%dma_start3A_165 : memref<80xf32, #tpu.memory_space<hbm>>) target_semaphore(%run_scoped3A : memref<!tpu.dma_semaphore, #tpu.memory_space<semaphore_mem>>)
      %dma_wait3A_166 = arith.constant 0 : i32
      %dma_wait3A_167 = tpu.memref_slice %arg4[%add3A, %dma_wait3A_166] : memref<32x80xf32, #tpu.memory_space<hbm>> -> memref<1x80xf32, #tpu.memory_space<hbm>>
      %dma_wait3A_168 = tpu.memref_squeeze %dma_wait3A_167 : memref<1x80xf32, #tpu.memory_space<hbm>> -> memref<80xf32, #tpu.memory_space<hbm>>
      %dma_wait3A_169 = arith.constant 0 : i32
      %dma_wait3A_170 = tpu.memref_slice %arg4[%add3A, %dma_wait3A_169] : memref<32x80xf32, #tpu.memory_space<hbm>> -> memref<1x80xf32, #tpu.memory_space<hbm>>
      %dma_wait3A_171 = tpu.memref_squeeze %dma_wait3A_170 : memref<1x80xf32, #tpu.memory_space<hbm>> -> memref<80xf32, #tpu.memory_space<hbm>>
      tpu.wait_dma2 semaphore(%run_scoped3A : memref<!tpu.dma_semaphore, #tpu.memory_space<semaphore_mem>>) src(%arg7 : memref<80xf32, #tpu.memory_space<vmem>>) dst(%dma_wait3A_171 : memref<80xf32, #tpu.memory_space<hbm>>)
      tpu.yield
    }) : () -> ()
    return
  }
}

module attributes {stable_mosaic.version = 14 : i64} {
  func.func @_dense_body(%arg0: memref<32x80xf32, #tpu.memory_space<vmem>>, %arg1: memref<1x128xf32, #tpu.memory_space<vmem>>, %arg2: memref<128x64xf32, #tpu.memory_space<vmem>>, %arg3: memref<1x64xf32, #tpu.memory_space<vmem>>, %arg4: memref<4x64xf32, #tpu.memory_space<vmem>>, %arg5: memref<1x64xf32, #tpu.memory_space<vmem>>, %arg6: memref<3x64x64xf32, #tpu.memory_space<vmem>>, %arg7: memref<3x1x64xf32, #tpu.memory_space<vmem>>, %arg8: memref<3x128x64xf32, #tpu.memory_space<vmem>>, %arg9: memref<3x1x64xf32, #tpu.memory_space<vmem>>, %arg10: memref<64x64xf32, #tpu.memory_space<vmem>>, %arg11: memref<1x64xf32, #tpu.memory_space<vmem>>, %arg12: memref<64x32xf32, #tpu.memory_space<vmem>>, %arg13: memref<1x32xf32, #tpu.memory_space<vmem>>, %arg14: memref<32x1xf32, #tpu.memory_space<vmem>>, %arg15: memref<1x1xf32, #tpu.memory_space<vmem>>, %arg16: memref<1x32xf32, #tpu.memory_space<vmem>>, %arg17: memref<3x64xf32, #tpu.memory_space<vmem>>, %arg18: memref<1x1xf32, #tpu.memory_space<vmem>>, %arg19: memref<1x3xf32, #tpu.memory_space<vmem>>) attributes {dimension_semantics = [], scalar_prefetch = 0 : i64, scratch_operands = 0 : i64, tpu.core_type = #tpu.core_type<tc>} {
    %get3A = arith.constant 0 : index
    %get3A_0 = arith.constant 0 : index
    %get3A_1 = vector.load %arg0[%get3A, %get3A_0] : memref<32x80xf32, #tpu.memory_space<vmem>>, vector<32x80xf32>
    %slice3A = vector.extract_strided_slice %get3A_1 {offsets = [0, 0], sizes = [32, 16], strides = [1, 1]} : vector<32x80xf32> to vector<32x16xf32>
    %reduce_sum3A = vector.shape_cast %slice3A : vector<32x16xf32> to vector<1x32x16xf32>
    %reduce_sum3A_2 = arith.constant dense<0.000000e+00> : vector<1xf32>
    %reduce_sum3A_3 = vector.multi_reduction <add>, %reduce_sum3A, %reduce_sum3A_2 [1, 2] : vector<1x32x16xf32> to vector<1xf32>
    %reduce_sum3A_4 = vector.shape_cast %reduce_sum3A_3 : vector<1xf32> to vector<1x1x1xf32>
    %reduce_sum3A_5 = vector.extract %reduce_sum3A_4[0, 0, 0] : f32 from vector<1x1x1xf32>
    %slice3A_6 = vector.extract_strided_slice %get3A_1 {offsets = [0, 16], sizes = [32, 16], strides = [1, 1]} : vector<32x80xf32> to vector<32x16xf32>
    %reduce_sum3A_7 = vector.shape_cast %slice3A_6 : vector<32x16xf32> to vector<1x32x16xf32>
    %reduce_sum3A_8 = arith.constant dense<0.000000e+00> : vector<1xf32>
    %reduce_sum3A_9 = vector.multi_reduction <add>, %reduce_sum3A_7, %reduce_sum3A_8 [1, 2] : vector<1x32x16xf32> to vector<1xf32>
    %reduce_sum3A_10 = vector.shape_cast %reduce_sum3A_9 : vector<1xf32> to vector<1x1x1xf32>
    %reduce_sum3A_11 = vector.extract %reduce_sum3A_10[0, 0, 0] : f32 from vector<1x1x1xf32>
    %slice3A_12 = vector.extract_strided_slice %get3A_1 {offsets = [0, 32], sizes = [32, 16], strides = [1, 1]} : vector<32x80xf32> to vector<32x16xf32>
    %reduce_sum3A_13 = vector.shape_cast %slice3A_12 : vector<32x16xf32> to vector<1x32x16xf32>
    %reduce_sum3A_14 = arith.constant dense<0.000000e+00> : vector<1xf32>
    %reduce_sum3A_15 = vector.multi_reduction <add>, %reduce_sum3A_13, %reduce_sum3A_14 [1, 2] : vector<1x32x16xf32> to vector<1xf32>
    %reduce_sum3A_16 = vector.shape_cast %reduce_sum3A_15 : vector<1xf32> to vector<1x1x1xf32>
    %reduce_sum3A_17 = vector.extract %reduce_sum3A_16[0, 0, 0] : f32 from vector<1x1x1xf32>
    %slice3A_18 = vector.extract_strided_slice %get3A_1 {offsets = [0, 48], sizes = [32, 16], strides = [1, 1]} : vector<32x80xf32> to vector<32x16xf32>
    %reduce_sum3A_19 = vector.shape_cast %slice3A_18 : vector<32x16xf32> to vector<1x32x16xf32>
    %reduce_sum3A_20 = arith.constant dense<0.000000e+00> : vector<1xf32>
    %reduce_sum3A_21 = vector.multi_reduction <add>, %reduce_sum3A_19, %reduce_sum3A_20 [1, 2] : vector<1x32x16xf32> to vector<1xf32>
    %reduce_sum3A_22 = vector.shape_cast %reduce_sum3A_21 : vector<1xf32> to vector<1x1x1xf32>
    %reduce_sum3A_23 = vector.extract %reduce_sum3A_22[0, 0, 0] : f32 from vector<1x1x1xf32>
    %slice3A_24 = vector.extract_strided_slice %get3A_1 {offsets = [0, 64], sizes = [32, 16], strides = [1, 1]} : vector<32x80xf32> to vector<32x16xf32>
    %reduce_sum3A_25 = vector.shape_cast %slice3A_24 : vector<32x16xf32> to vector<1x32x16xf32>
    %reduce_sum3A_26 = arith.constant dense<0.000000e+00> : vector<1xf32>
    %reduce_sum3A_27 = vector.multi_reduction <add>, %reduce_sum3A_25, %reduce_sum3A_26 [1, 2] : vector<1x32x16xf32> to vector<1xf32>
    %reduce_sum3A_28 = vector.shape_cast %reduce_sum3A_27 : vector<1xf32> to vector<1x1x1xf32>
    %reduce_sum3A_29 = vector.extract %reduce_sum3A_28[0, 0, 0] : f32 from vector<1x1x1xf32>
    %get3A_30 = arith.constant 0 : index
    %get3A_31 = arith.constant 0 : index
    %get3A_32 = vector.load %arg4[%get3A_30, %get3A_31] : memref<4x64xf32, #tpu.memory_space<vmem>>, vector<4x64xf32>
    %convert_element_type3A = arith.truncf %get3A_32 : vector<4x64xf32> to vector<4x64xbf16>
    %convert_element_type3A_33 = arith.extf %convert_element_type3A : vector<4x64xbf16> to vector<4x64xf32>
    %slice3A_34 = vector.extract_strided_slice %convert_element_type3A_33 {offsets = [0, 0], sizes = [1, 64], strides = [1, 1]} : vector<4x64xf32> to vector<1x64xf32>
    %mul3A = vector.broadcast %reduce_sum3A_5 : f32 to vector<1x64xf32>
    %mul3A_35 = arith.mulf %mul3A, %slice3A_34 : vector<1x64xf32>
    %slice3A_36 = vector.extract_strided_slice %convert_element_type3A_33 {offsets = [1, 0], sizes = [1, 64], strides = [1, 1]} : vector<4x64xf32> to vector<1x64xf32>
    %mul3A_37 = vector.broadcast %reduce_sum3A_11 : f32 to vector<1x64xf32>
    %mul3A_38 = arith.mulf %mul3A_37, %slice3A_36 : vector<1x64xf32>
    %add3A = arith.addf %mul3A_35, %mul3A_38 : vector<1x64xf32>
    %slice3A_39 = vector.extract_strided_slice %convert_element_type3A_33 {offsets = [2, 0], sizes = [1, 64], strides = [1, 1]} : vector<4x64xf32> to vector<1x64xf32>
    %mul3A_40 = vector.broadcast %reduce_sum3A_17 : f32 to vector<1x64xf32>
    %mul3A_41 = arith.mulf %mul3A_40, %slice3A_39 : vector<1x64xf32>
    %add3A_42 = arith.addf %add3A, %mul3A_41 : vector<1x64xf32>
    %slice3A_43 = vector.extract_strided_slice %convert_element_type3A_33 {offsets = [3, 0], sizes = [1, 64], strides = [1, 1]} : vector<4x64xf32> to vector<1x64xf32>
    %mul3A_44 = vector.broadcast %reduce_sum3A_23 : f32 to vector<1x64xf32>
    %mul3A_45 = arith.mulf %mul3A_44, %slice3A_43 : vector<1x64xf32>
    %add3A_46 = arith.addf %add3A_42, %mul3A_45 : vector<1x64xf32>
    %get3A_47 = arith.constant 0 : index
    %get3A_48 = arith.constant 0 : index
    %get3A_49 = vector.load %arg5[%get3A_47, %get3A_48] : memref<1x64xf32, #tpu.memory_space<vmem>>, vector<1x64xf32>
    %mul3A_50 = vector.broadcast %reduce_sum3A_29 : f32 to vector<1x64xf32>
    %mul3A_51 = arith.mulf %mul3A_50, %get3A_49 : vector<1x64xf32>
    %add3A_52 = arith.addf %add3A_46, %mul3A_51 : vector<1x64xf32>
    %get3A_53 = arith.constant 0 : index
    %get3A_54 = arith.constant 0 : index
    %get3A_55 = vector.load %arg1[%get3A_53, %get3A_54] : memref<1x128xf32, #tpu.memory_space<vmem>>, vector<1x128xf32>
    %get3A_56 = arith.constant 0 : index
    %get3A_57 = arith.constant 0 : index
    %get3A_58 = vector.load %arg2[%get3A_56, %get3A_57] : memref<128x64xf32, #tpu.memory_space<vmem>>, vector<128x64xf32>
    %convert_element_type3A_59 = arith.truncf %get3A_55 : vector<1x128xf32> to vector<1x128xbf16>
    %convert_element_type3A_60 = arith.truncf %get3A_58 : vector<128x64xf32> to vector<128x64xbf16>
    %dot_general3A = arith.constant dense<0.000000e+00> : vector<1x64xf32>
    %dot_general3A_61 = tpu.matmul %convert_element_type3A_59, %convert_element_type3A_60, %dot_general3A {dimension_numbers = #tpu.dot_dimension_numbers<[1], [0], [0], [1], [0, 0, 1, 1], [], []>, transpose_lhs_hint = false} : vector<1x128xbf16>, vector<128x64xbf16>, vector<1x64xf32> -> vector<1x64xf32>
    %get3A_62 = arith.constant 0 : index
    %get3A_63 = arith.constant 0 : index
    %get3A_64 = vector.load %arg3[%get3A_62, %get3A_63] : memref<1x64xf32, #tpu.memory_space<vmem>>, vector<1x64xf32>
    %add3A_65 = arith.addf %dot_general3A_61, %get3A_64 : vector<1x64xf32>
    %get3A_66 = arith.constant 0 : index
    %get3A_67 = arith.constant 0 : index
    %get3A_68 = arith.constant 0 : index
    %get3A_69 = vector.load %arg6[%get3A_66, %get3A_67, %get3A_68] : memref<3x64x64xf32, #tpu.memory_space<vmem>>, vector<1x64x64xf32>
    %get3A_70 = vector.shape_cast %get3A_69 : vector<1x64x64xf32> to vector<64x64xf32>
    %convert_element_type3A_71 = arith.truncf %get3A_70 : vector<64x64xf32> to vector<64x64xbf16>
    %convert_element_type3A_72 = arith.extf %convert_element_type3A_71 : vector<64x64xbf16> to vector<64x64xf32>
    %dot_general3A_73 = arith.constant dense<0.000000e+00> : vector<1x64xf32>
    %dot_general3A_74 = tpu.matmul %add3A_52, %convert_element_type3A_72, %dot_general3A_73 {dimension_numbers = #tpu.dot_dimension_numbers<[1], [0], [0], [1], [0, 0, 1, 1], [], []>, precision = #tpu.contract_precision<fp32>, transpose_lhs_hint = false} : vector<1x64xf32>, vector<64x64xf32>, vector<1x64xf32> -> vector<1x64xf32>
    %get3A_75 = arith.constant 0 : index
    %get3A_76 = arith.constant 0 : index
    %get3A_77 = arith.constant 0 : index
    %get3A_78 = vector.load %arg7[%get3A_75, %get3A_76, %get3A_77] : memref<3x1x64xf32, #tpu.memory_space<vmem>>, vector<1x1x64xf32>
    %get3A_79 = vector.shape_cast %get3A_78 : vector<1x1x64xf32> to vector<1x64xf32>
    %mul3A_80 = vector.broadcast %reduce_sum3A_29 : f32 to vector<1x64xf32>
    %mul3A_81 = arith.mulf %mul3A_80, %get3A_79 : vector<1x64xf32>
    %add3A_82 = arith.addf %dot_general3A_74, %mul3A_81 : vector<1x64xf32>
    %concatenate3A = tpu.concatenate %add3A_65, %add3A_82 in 1 : vector<1x64xf32>, vector<1x64xf32> -> vector<1x128xf32>
    %get3A_83 = arith.constant 0 : index
    %get3A_84 = arith.constant 0 : index
    %get3A_85 = arith.constant 0 : index
    %get3A_86 = vector.load %arg8[%get3A_83, %get3A_84, %get3A_85] : memref<3x128x64xf32, #tpu.memory_space<vmem>>, vector<1x128x64xf32>
    %get3A_87 = vector.shape_cast %get3A_86 : vector<1x128x64xf32> to vector<128x64xf32>
    %convert_element_type3A_88 = arith.truncf %concatenate3A : vector<1x128xf32> to vector<1x128xbf16>
    %convert_element_type3A_89 = arith.truncf %get3A_87 : vector<128x64xf32> to vector<128x64xbf16>
    %dot_general3A_90 = arith.constant dense<0.000000e+00> : vector<1x64xf32>
    %dot_general3A_91 = tpu.matmul %convert_element_type3A_88, %convert_element_type3A_89, %dot_general3A_90 {dimension_numbers = #tpu.dot_dimension_numbers<[1], [0], [0], [1], [0, 0, 1, 1], [], []>, transpose_lhs_hint = false} : vector<1x128xbf16>, vector<128x64xbf16>, vector<1x64xf32> -> vector<1x64xf32>
    %get3A_92 = arith.constant 0 : index
    %get3A_93 = arith.constant 0 : index
    %get3A_94 = arith.constant 0 : index
    %get3A_95 = vector.load %arg9[%get3A_92, %get3A_93, %get3A_94] : memref<3x1x64xf32, #tpu.memory_space<vmem>>, vector<1x1x64xf32>
    %get3A_96 = vector.shape_cast %get3A_95 : vector<1x1x64xf32> to vector<1x64xf32>
    %add3A_97 = arith.addf %dot_general3A_91, %get3A_96 : vector<1x64xf32>
    %ge3A = arith.constant 0.000000e+00 : f32
    %ge3A_98 = vector.broadcast %ge3A : f32 to vector<1x64xf32>
    %ge3A_99 = arith.cmpf oge, %add3A_97, %ge3A_98 : vector<1x64xf32>
    %mul3A_100 = arith.constant 0.00999999977 : f32
    %mul3A_101 = vector.broadcast %mul3A_100 : f32 to vector<1x64xf32>
    %mul3A_102 = arith.mulf %mul3A_101, %add3A_97 : vector<1x64xf32>
    %select_n3A = arith.select %ge3A_99, %add3A_97, %mul3A_102 : vector<1x64xi1>, vector<1x64xf32>
    %get3A_103 = arith.constant 1 : index
    %get3A_104 = arith.constant 0 : index
    %get3A_105 = arith.constant 0 : index
    %get3A_106 = vector.load %arg6[%get3A_103, %get3A_104, %get3A_105] : memref<3x64x64xf32, #tpu.memory_space<vmem>>, vector<1x64x64xf32>
    %get3A_107 = vector.shape_cast %get3A_106 : vector<1x64x64xf32> to vector<64x64xf32>
    %convert_element_type3A_108 = arith.truncf %get3A_107 : vector<64x64xf32> to vector<64x64xbf16>
    %convert_element_type3A_109 = arith.extf %convert_element_type3A_108 : vector<64x64xbf16> to vector<64x64xf32>
    %dot_general3A_110 = arith.constant dense<0.000000e+00> : vector<1x64xf32>
    %dot_general3A_111 = tpu.matmul %add3A_52, %convert_element_type3A_109, %dot_general3A_110 {dimension_numbers = #tpu.dot_dimension_numbers<[1], [0], [0], [1], [0, 0, 1, 1], [], []>, precision = #tpu.contract_precision<fp32>, transpose_lhs_hint = false} : vector<1x64xf32>, vector<64x64xf32>, vector<1x64xf32> -> vector<1x64xf32>
    %get3A_112 = arith.constant 1 : index
    %get3A_113 = arith.constant 0 : index
    %get3A_114 = arith.constant 0 : index
    %get3A_115 = vector.load %arg7[%get3A_112, %get3A_113, %get3A_114] : memref<3x1x64xf32, #tpu.memory_space<vmem>>, vector<1x1x64xf32>
    %get3A_116 = vector.shape_cast %get3A_115 : vector<1x1x64xf32> to vector<1x64xf32>
    %mul3A_117 = vector.broadcast %reduce_sum3A_29 : f32 to vector<1x64xf32>
    %mul3A_118 = arith.mulf %mul3A_117, %get3A_116 : vector<1x64xf32>
    %add3A_119 = arith.addf %dot_general3A_111, %mul3A_118 : vector<1x64xf32>
    %concatenate3A_120 = tpu.concatenate %select_n3A, %add3A_119 in 1 : vector<1x64xf32>, vector<1x64xf32> -> vector<1x128xf32>
    %get3A_121 = arith.constant 1 : index
    %get3A_122 = arith.constant 0 : index
    %get3A_123 = arith.constant 0 : index
    %get3A_124 = vector.load %arg8[%get3A_121, %get3A_122, %get3A_123] : memref<3x128x64xf32, #tpu.memory_space<vmem>>, vector<1x128x64xf32>
    %get3A_125 = vector.shape_cast %get3A_124 : vector<1x128x64xf32> to vector<128x64xf32>
    %convert_element_type3A_126 = arith.truncf %concatenate3A_120 : vector<1x128xf32> to vector<1x128xbf16>
    %convert_element_type3A_127 = arith.truncf %get3A_125 : vector<128x64xf32> to vector<128x64xbf16>
    %dot_general3A_128 = arith.constant dense<0.000000e+00> : vector<1x64xf32>
    %dot_general3A_129 = tpu.matmul %convert_element_type3A_126, %convert_element_type3A_127, %dot_general3A_128 {dimension_numbers = #tpu.dot_dimension_numbers<[1], [0], [0], [1], [0, 0, 1, 1], [], []>, transpose_lhs_hint = false} : vector<1x128xbf16>, vector<128x64xbf16>, vector<1x64xf32> -> vector<1x64xf32>
    %get3A_130 = arith.constant 1 : index
    %get3A_131 = arith.constant 0 : index
    %get3A_132 = arith.constant 0 : index
    %get3A_133 = vector.load %arg9[%get3A_130, %get3A_131, %get3A_132] : memref<3x1x64xf32, #tpu.memory_space<vmem>>, vector<1x1x64xf32>
    %get3A_134 = vector.shape_cast %get3A_133 : vector<1x1x64xf32> to vector<1x64xf32>
    %add3A_135 = arith.addf %dot_general3A_129, %get3A_134 : vector<1x64xf32>
    %ge3A_136 = arith.constant 0.000000e+00 : f32
    %ge3A_137 = vector.broadcast %ge3A_136 : f32 to vector<1x64xf32>
    %ge3A_138 = arith.cmpf oge, %add3A_135, %ge3A_137 : vector<1x64xf32>
    %mul3A_139 = arith.constant 0.00999999977 : f32
    %mul3A_140 = vector.broadcast %mul3A_139 : f32 to vector<1x64xf32>
    %mul3A_141 = arith.mulf %mul3A_140, %add3A_135 : vector<1x64xf32>
    %select_n3A_142 = arith.select %ge3A_138, %add3A_135, %mul3A_141 : vector<1x64xi1>, vector<1x64xf32>
    %get3A_143 = arith.constant 2 : index
    %get3A_144 = arith.constant 0 : index
    %get3A_145 = arith.constant 0 : index
    %get3A_146 = vector.load %arg6[%get3A_143, %get3A_144, %get3A_145] : memref<3x64x64xf32, #tpu.memory_space<vmem>>, vector<1x64x64xf32>
    %get3A_147 = vector.shape_cast %get3A_146 : vector<1x64x64xf32> to vector<64x64xf32>
    %convert_element_type3A_148 = arith.truncf %get3A_147 : vector<64x64xf32> to vector<64x64xbf16>
    %convert_element_type3A_149 = arith.extf %convert_element_type3A_148 : vector<64x64xbf16> to vector<64x64xf32>
    %dot_general3A_150 = arith.constant dense<0.000000e+00> : vector<1x64xf32>
    %dot_general3A_151 = tpu.matmul %add3A_52, %convert_element_type3A_149, %dot_general3A_150 {dimension_numbers = #tpu.dot_dimension_numbers<[1], [0], [0], [1], [0, 0, 1, 1], [], []>, precision = #tpu.contract_precision<fp32>, transpose_lhs_hint = false} : vector<1x64xf32>, vector<64x64xf32>, vector<1x64xf32> -> vector<1x64xf32>
    %get3A_152 = arith.constant 2 : index
    %get3A_153 = arith.constant 0 : index
    %get3A_154 = arith.constant 0 : index
    %get3A_155 = vector.load %arg7[%get3A_152, %get3A_153, %get3A_154] : memref<3x1x64xf32, #tpu.memory_space<vmem>>, vector<1x1x64xf32>
    %get3A_156 = vector.shape_cast %get3A_155 : vector<1x1x64xf32> to vector<1x64xf32>
    %mul3A_157 = vector.broadcast %reduce_sum3A_29 : f32 to vector<1x64xf32>
    %mul3A_158 = arith.mulf %mul3A_157, %get3A_156 : vector<1x64xf32>
    %add3A_159 = arith.addf %dot_general3A_151, %mul3A_158 : vector<1x64xf32>
    %concatenate3A_160 = tpu.concatenate %select_n3A_142, %add3A_159 in 1 : vector<1x64xf32>, vector<1x64xf32> -> vector<1x128xf32>
    %get3A_161 = arith.constant 2 : index
    %get3A_162 = arith.constant 0 : index
    %get3A_163 = arith.constant 0 : index
    %get3A_164 = vector.load %arg8[%get3A_161, %get3A_162, %get3A_163] : memref<3x128x64xf32, #tpu.memory_space<vmem>>, vector<1x128x64xf32>
    %get3A_165 = vector.shape_cast %get3A_164 : vector<1x128x64xf32> to vector<128x64xf32>
    %convert_element_type3A_166 = arith.truncf %concatenate3A_160 : vector<1x128xf32> to vector<1x128xbf16>
    %convert_element_type3A_167 = arith.truncf %get3A_165 : vector<128x64xf32> to vector<128x64xbf16>
    %dot_general3A_168 = arith.constant dense<0.000000e+00> : vector<1x64xf32>
    %dot_general3A_169 = tpu.matmul %convert_element_type3A_166, %convert_element_type3A_167, %dot_general3A_168 {dimension_numbers = #tpu.dot_dimension_numbers<[1], [0], [0], [1], [0, 0, 1, 1], [], []>, transpose_lhs_hint = false} : vector<1x128xbf16>, vector<128x64xbf16>, vector<1x64xf32> -> vector<1x64xf32>
    %get3A_170 = arith.constant 2 : index
    %get3A_171 = arith.constant 0 : index
    %get3A_172 = arith.constant 0 : index
    %get3A_173 = vector.load %arg9[%get3A_170, %get3A_171, %get3A_172] : memref<3x1x64xf32, #tpu.memory_space<vmem>>, vector<1x1x64xf32>
    %get3A_174 = vector.shape_cast %get3A_173 : vector<1x1x64xf32> to vector<1x64xf32>
    %add3A_175 = arith.addf %dot_general3A_169, %get3A_174 : vector<1x64xf32>
    %ge3A_176 = arith.constant 0.000000e+00 : f32
    %ge3A_177 = vector.broadcast %ge3A_176 : f32 to vector<1x64xf32>
    %ge3A_178 = arith.cmpf oge, %add3A_175, %ge3A_177 : vector<1x64xf32>
    %mul3A_179 = arith.constant 0.00999999977 : f32
    %mul3A_180 = vector.broadcast %mul3A_179 : f32 to vector<1x64xf32>
    %mul3A_181 = arith.mulf %mul3A_180, %add3A_175 : vector<1x64xf32>
    %select_n3A_182 = arith.select %ge3A_178, %add3A_175, %mul3A_181 : vector<1x64xi1>, vector<1x64xf32>
    %get3A_183 = arith.constant 0 : index
    %get3A_184 = arith.constant 0 : index
    %get3A_185 = vector.load %arg10[%get3A_183, %get3A_184] : memref<64x64xf32, #tpu.memory_space<vmem>>, vector<64x64xf32>
    %convert_element_type3A_186 = arith.truncf %select_n3A_182 : vector<1x64xf32> to vector<1x64xbf16>
    %convert_element_type3A_187 = arith.truncf %get3A_185 : vector<64x64xf32> to vector<64x64xbf16>
    %dot_general3A_188 = arith.constant dense<0.000000e+00> : vector<1x64xf32>
    %dot_general3A_189 = tpu.matmul %convert_element_type3A_186, %convert_element_type3A_187, %dot_general3A_188 {dimension_numbers = #tpu.dot_dimension_numbers<[1], [0], [0], [1], [0, 0, 1, 1], [], []>, transpose_lhs_hint = false} : vector<1x64xbf16>, vector<64x64xbf16>, vector<1x64xf32> -> vector<1x64xf32>
    %get3A_190 = arith.constant 0 : index
    %get3A_191 = arith.constant 0 : index
    %get3A_192 = vector.load %arg11[%get3A_190, %get3A_191] : memref<1x64xf32, #tpu.memory_space<vmem>>, vector<1x64xf32>
    %add3A_193 = arith.addf %dot_general3A_189, %get3A_192 : vector<1x64xf32>
    %ge3A_194 = arith.constant 0.000000e+00 : f32
    %ge3A_195 = vector.broadcast %ge3A_194 : f32 to vector<1x64xf32>
    %ge3A_196 = arith.cmpf oge, %add3A_193, %ge3A_195 : vector<1x64xf32>
    %mul3A_197 = arith.constant 0.00999999977 : f32
    %mul3A_198 = vector.broadcast %mul3A_197 : f32 to vector<1x64xf32>
    %mul3A_199 = arith.mulf %mul3A_198, %add3A_193 : vector<1x64xf32>
    %select_n3A_200 = arith.select %ge3A_196, %add3A_193, %mul3A_199 : vector<1x64xi1>, vector<1x64xf32>
    %get3A_201 = arith.constant 0 : index
    %get3A_202 = arith.constant 0 : index
    %get3A_203 = vector.load %arg12[%get3A_201, %get3A_202] : memref<64x32xf32, #tpu.memory_space<vmem>>, vector<64x32xf32>
    %convert_element_type3A_204 = arith.truncf %select_n3A_200 : vector<1x64xf32> to vector<1x64xbf16>
    %convert_element_type3A_205 = arith.truncf %get3A_203 : vector<64x32xf32> to vector<64x32xbf16>
    %dot_general3A_206 = arith.constant dense<0.000000e+00> : vector<1x32xf32>
    %dot_general3A_207 = tpu.matmul %convert_element_type3A_204, %convert_element_type3A_205, %dot_general3A_206 {dimension_numbers = #tpu.dot_dimension_numbers<[1], [0], [0], [1], [0, 0, 1, 1], [], []>, transpose_lhs_hint = false} : vector<1x64xbf16>, vector<64x32xbf16>, vector<1x32xf32> -> vector<1x32xf32>
    %get3A_208 = arith.constant 0 : index
    %get3A_209 = arith.constant 0 : index
    %get3A_210 = vector.load %arg13[%get3A_208, %get3A_209] : memref<1x32xf32, #tpu.memory_space<vmem>>, vector<1x32xf32>
    %add3A_211 = arith.addf %dot_general3A_207, %get3A_210 : vector<1x32xf32>
    %ge3A_212 = arith.constant 0.000000e+00 : f32
    %ge3A_213 = vector.broadcast %ge3A_212 : f32 to vector<1x32xf32>
    %ge3A_214 = arith.cmpf oge, %add3A_211, %ge3A_213 : vector<1x32xf32>
    %mul3A_215 = arith.constant 0.00999999977 : f32
    %mul3A_216 = vector.broadcast %mul3A_215 : f32 to vector<1x32xf32>
    %mul3A_217 = arith.mulf %mul3A_216, %add3A_211 : vector<1x32xf32>
    %select_n3A_218 = arith.select %ge3A_214, %add3A_211, %mul3A_217 : vector<1x32xi1>, vector<1x32xf32>
    %get3A_219 = arith.constant 0 : index
    %get3A_220 = arith.constant 0 : index
    %get3A_221 = vector.load %arg14[%get3A_219, %get3A_220] : memref<32x1xf32, #tpu.memory_space<vmem>>, vector<32x1xf32>
    %convert_element_type3A_222 = arith.truncf %select_n3A_218 : vector<1x32xf32> to vector<1x32xbf16>
    %convert_element_type3A_223 = arith.truncf %get3A_221 : vector<32x1xf32> to vector<32x1xbf16>
    %dot_general3A_224 = arith.constant dense<0.000000e+00> : vector<1x1xf32>
    %dot_general3A_225 = tpu.matmul %convert_element_type3A_222, %convert_element_type3A_223, %dot_general3A_224 {dimension_numbers = #tpu.dot_dimension_numbers<[1], [0], [0], [1], [0, 0, 1, 1], [], []>, transpose_lhs_hint = false} : vector<1x32xbf16>, vector<32x1xbf16>, vector<1x1xf32> -> vector<1x1xf32>
    %get3A_226 = arith.constant 0 : index
    %get3A_227 = arith.constant 0 : index
    %get3A_228 = vector.load %arg15[%get3A_226, %get3A_227] : memref<1x1xf32, #tpu.memory_space<vmem>>, vector<1x1xf32>
    %add3A_229 = arith.addf %dot_general3A_225, %get3A_228 : vector<1x1xf32>
    %swap3A = arith.constant 0 : index
    %swap3A_230 = arith.constant 0 : index
    %swap3A_231 = vector.load %arg18[%swap3A, %swap3A_230] : memref<1x1xf32, #tpu.memory_space<vmem>>, vector<1x1xf32>
    tpu.vector_store %arg18[%swap3A, %swap3A_230], %add3A_229 {strides = array<i32>} : memref<1x1xf32, #tpu.memory_space<vmem>>, vector<1x1xf32>,
    %get3A_232 = arith.constant 0 : index
    %get3A_233 = arith.constant 0 : index
    %get3A_234 = vector.load %arg1[%get3A_232, %get3A_233] : memref<1x128xf32, #tpu.memory_space<vmem>>, vector<1x128xf32>
    %get3A_235 = arith.constant 0 : index
    %get3A_236 = arith.constant 0 : index
    %get3A_237 = vector.load %arg2[%get3A_235, %get3A_236] : memref<128x64xf32, #tpu.memory_space<vmem>>, vector<128x64xf32>
    %convert_element_type3A_238 = arith.truncf %get3A_234 : vector<1x128xf32> to vector<1x128xbf16>
    %convert_element_type3A_239 = arith.truncf %get3A_237 : vector<128x64xf32> to vector<128x64xbf16>
    %dot_general3A_240 = arith.constant dense<0.000000e+00> : vector<1x64xf32>
    %dot_general3A_241 = tpu.matmul %convert_element_type3A_238, %convert_element_type3A_239, %dot_general3A_240 {dimension_numbers = #tpu.dot_dimension_numbers<[1], [0], [0], [1], [0, 0, 1, 1], [], []>, transpose_lhs_hint = false} : vector<1x128xbf16>, vector<128x64xbf16>, vector<1x64xf32> -> vector<1x64xf32>
    %get3A_242 = arith.constant 0 : index
    %get3A_243 = arith.constant 0 : index
    %get3A_244 = vector.load %arg3[%get3A_242, %get3A_243] : memref<1x64xf32, #tpu.memory_space<vmem>>, vector<1x64xf32>
    %add3A_245 = arith.addf %dot_general3A_241, %get3A_244 : vector<1x64xf32>
    %get3A_246 = arith.constant 0 : index
    %get3A_247 = arith.constant 0 : index
    %get3A_248 = vector.load %arg10[%get3A_246, %get3A_247] : memref<64x64xf32, #tpu.memory_space<vmem>>, vector<64x64xf32>
    %convert_element_type3A_249 = arith.truncf %add3A_245 : vector<1x64xf32> to vector<1x64xbf16>
    %convert_element_type3A_250 = arith.truncf %get3A_248 : vector<64x64xf32> to vector<64x64xbf16>
    %dot_general3A_251 = arith.constant dense<0.000000e+00> : vector<1x64xf32>
    %dot_general3A_252 = tpu.matmul %convert_element_type3A_249, %convert_element_type3A_250, %dot_general3A_251 {dimension_numbers = #tpu.dot_dimension_numbers<[1], [0], [0], [1], [0, 0, 1, 1], [], []>, transpose_lhs_hint = false} : vector<1x64xbf16>, vector<64x64xbf16>, vector<1x64xf32> -> vector<1x64xf32>
    %get3A_253 = arith.constant 0 : index
    %get3A_254 = arith.constant 0 : index
    %get3A_255 = vector.load %arg11[%get3A_253, %get3A_254] : memref<1x64xf32, #tpu.memory_space<vmem>>, vector<1x64xf32>
    %add3A_256 = arith.addf %dot_general3A_252, %get3A_255 : vector<1x64xf32>
    %ge3A_257 = arith.constant 0.000000e+00 : f32
    %ge3A_258 = vector.broadcast %ge3A_257 : f32 to vector<1x64xf32>
    %ge3A_259 = arith.cmpf oge, %add3A_256, %ge3A_258 : vector<1x64xf32>
    %jit3A = arith.constant 1.000000e+00 : f32
    %jit3A_260 = arith.constant 0.00999999977 : f32
    %broadcast_in_dim3A = vector.broadcast %jit3A : f32 to vector<1x64xf32>
    %broadcast_in_dim3A_261 = vector.broadcast %jit3A_260 : f32 to vector<1x64xf32>
    %select_n3A_262 = arith.select %ge3A_259, %broadcast_in_dim3A, %broadcast_in_dim3A_261 : vector<1x64xi1>, vector<1x64xf32>
    %ge3A_263 = arith.constant 0.000000e+00 : f32
    %ge3A_264 = vector.broadcast %ge3A_263 : f32 to vector<1x64xf32>
    %ge3A_265 = arith.cmpf oge, %add3A_256, %ge3A_264 : vector<1x64xf32>
    %mul3A_266 = arith.constant 0.00999999977 : f32
    %mul3A_267 = vector.broadcast %mul3A_266 : f32 to vector<1x64xf32>
    %mul3A_268 = arith.mulf %mul3A_267, %add3A_256 : vector<1x64xf32>
    %select_n3A_269 = arith.select %ge3A_265, %add3A_256, %mul3A_268 : vector<1x64xi1>, vector<1x64xf32>
    %get3A_270 = arith.constant 0 : index
    %get3A_271 = arith.constant 0 : index
    %get3A_272 = vector.load %arg12[%get3A_270, %get3A_271] : memref<64x32xf32, #tpu.memory_space<vmem>>, vector<64x32xf32>
    %convert_element_type3A_273 = arith.truncf %select_n3A_269 : vector<1x64xf32> to vector<1x64xbf16>
    %convert_element_type3A_274 = arith.truncf %get3A_272 : vector<64x32xf32> to vector<64x32xbf16>
    %dot_general3A_275 = arith.constant dense<0.000000e+00> : vector<1x32xf32>
    %dot_general3A_276 = tpu.matmul %convert_element_type3A_273, %convert_element_type3A_274, %dot_general3A_275 {dimension_numbers = #tpu.dot_dimension_numbers<[1], [0], [0], [1], [0, 0, 1, 1], [], []>, transpose_lhs_hint = false} : vector<1x64xbf16>, vector<64x32xbf16>, vector<1x32xf32> -> vector<1x32xf32>
    %get3A_277 = arith.constant 0 : index
    %get3A_278 = arith.constant 0 : index
    %get3A_279 = vector.load %arg13[%get3A_277, %get3A_278] : memref<1x32xf32, #tpu.memory_space<vmem>>, vector<1x32xf32>
    %add3A_280 = arith.addf %dot_general3A_276, %get3A_279 : vector<1x32xf32>
    %ge3A_281 = arith.constant 0.000000e+00 : f32
    %ge3A_282 = vector.broadcast %ge3A_281 : f32 to vector<1x32xf32>
    %ge3A_283 = arith.cmpf oge, %add3A_280, %ge3A_282 : vector<1x32xf32>
    %jit3A_284 = arith.constant 1.000000e+00 : f32
    %jit3A_285 = arith.constant 0.00999999977 : f32
    %broadcast_in_dim3A_286 = vector.broadcast %jit3A_284 : f32 to vector<1x32xf32>
    %broadcast_in_dim3A_287 = vector.broadcast %jit3A_285 : f32 to vector<1x32xf32>
    %select_n3A_288 = arith.select %ge3A_283, %broadcast_in_dim3A_286, %broadcast_in_dim3A_287 : vector<1x32xi1>, vector<1x32xf32>
    %get3A_289 = arith.constant 0 : index
    %get3A_290 = arith.constant 0 : index
    %get3A_291 = vector.load %arg16[%get3A_289, %get3A_290] : memref<1x32xf32, #tpu.memory_space<vmem>>, vector<1x32xf32>
    %mul3A_292 = arith.mulf %get3A_291, %select_n3A_288 : vector<1x32xf32>
    %get3A_293 = arith.constant 0 : index
    %get3A_294 = arith.constant 0 : index
    %get3A_295 = vector.load %arg12[%get3A_293, %get3A_294] : memref<64x32xf32, #tpu.memory_space<vmem>>, vector<64x32xf32>
    %convert_element_type3A_296 = arith.truncf %mul3A_292 : vector<1x32xf32> to vector<1x32xbf16>
    %convert_element_type3A_297 = arith.truncf %get3A_295 : vector<64x32xf32> to vector<64x32xbf16>
    %dot_general3A_298 = arith.constant dense<0.000000e+00> : vector<1x64xf32>
    %dot_general3A_299 = tpu.matmul %convert_element_type3A_296, %convert_element_type3A_297, %dot_general3A_298 {dimension_numbers = #tpu.dot_dimension_numbers<[1], [1], [0], [0], [0, 0, 1, 0], [], []>, transpose_lhs_hint = false} : vector<1x32xbf16>, vector<64x32xbf16>, vector<1x64xf32> -> vector<1x64xf32>
    %mul3A_300 = arith.mulf %dot_general3A_299, %select_n3A_262 : vector<1x64xf32>
    %get3A_301 = arith.constant 0 : index
    %get3A_302 = arith.constant 0 : index
    %get3A_303 = vector.load %arg10[%get3A_301, %get3A_302] : memref<64x64xf32, #tpu.memory_space<vmem>>, vector<64x64xf32>
    %convert_element_type3A_304 = arith.truncf %mul3A_300 : vector<1x64xf32> to vector<1x64xbf16>
    %convert_element_type3A_305 = arith.truncf %get3A_303 : vector<64x64xf32> to vector<64x64xbf16>
    %dot_general3A_306 = arith.constant dense<0.000000e+00> : vector<1x64xf32>
    %dot_general3A_307 = tpu.matmul %convert_element_type3A_304, %convert_element_type3A_305, %dot_general3A_306 {dimension_numbers = #tpu.dot_dimension_numbers<[1], [1], [0], [0], [0, 0, 1, 0], [], []>, transpose_lhs_hint = false} : vector<1x64xbf16>, vector<64x64xbf16>, vector<1x64xf32> -> vector<1x64xf32>
    %get3A_308 = arith.constant 0 : index
    %get3A_309 = arith.constant 0 : index
    %get3A_310 = vector.load %arg17[%get3A_308, %get3A_309] : memref<3x64xf32, #tpu.memory_space<vmem>>, vector<3x64xf32>
    %convert_element_type3A_311 = arith.truncf %dot_general3A_307 : vector<1x64xf32> to vector<1x64xbf16>
    %convert_element_type3A_312 = arith.truncf %get3A_310 : vector<3x64xf32> to vector<3x64xbf16>
    %dot_general3A_313 = arith.constant dense<0.000000e+00> : vector<1x3xf32>
    %dot_general3A_314 = tpu.matmul %convert_element_type3A_311, %convert_element_type3A_312, %dot_general3A_313 {dimension_numbers = #tpu.dot_dimension_numbers<[1], [1], [0], [0], [0, 0, 1, 0], [], []>, transpose_lhs_hint = false} : vector<1x64xbf16>, vector<3x64xbf16>, vector<1x3xf32> -> vector<1x3xf32>
    %swap3A_315 = arith.constant 0 : index
    %swap3A_316 = arith.constant 0 : index
    %swap3A_317 = vector.load %arg19[%swap3A_315, %swap3A_316] : memref<1x3xf32, #tpu.memory_space<vmem>>, vector<1x3xf32>
    tpu.vector_store %arg19[%swap3A_315, %swap3A_316], %dot_general3A_314 {strides = array<i32>} : memref<1x3xf32, #tpu.memory_space<vmem>>, vector<1x3xf32>,
    return
  }
}

</mosaic_0001>

<sc_bundles>
// kernel: kernel.4.cloned.1.call-start
scs
__scs_entry_jumppad:
0x0: {  	(pc) =	sbr.rel $0x88, $3  }
0x1: {  	(tag) =	ssettag $0x0;
	lr =	simm.s32 $0x1  }
0x2: {  	[smem:$0x3F90] =	sst lr;
	_ =	strace $0xD0000000  }
0x3: {  	_ = 	snop  }
0x4: {  	_ = 	snop  }
0x5: {  	_ = 	snop  }
0x6: {  	_ = 	snop  }
0x7: {  	_ = 	snop  }
__scs_overlays_trampoline_lowered:
0x8: {  	[smem:$0x3F9F] =	sst s0  }
0x9: {  	[smem:$0x3FA0] =	sst s1  }
0xa: {  	[smem:$0x3FA1] =	sst s2  }
0xb: {  	[smem:$0x3FA2] =	sst s3  }
0xc: {  	[smem:$0x3FA3] =	sst s4  }
0xd: {  	[smem:$0x3FA4] =	sst s5  }
0xe: {  	[smem:$0x3FA5] =	sst s6  }
0xf: {  	[smem:$0x3FA6] =	sst s7  }
0x10: {  	[smem:$0x3FA7] =	sst s8  }
0x11: {  	[smem:$0x3FA8] =	sst s9;
	s0 =	simm.s32 @!p0 $0x0  }
0x12: {  	s1 =	sld [smem:$0x3F8E];
	s0 =	simm.s32 @p0 $0x1  }
0x13: {  	[smem:$0x3FA9] =	sst s0;
	s0 =	simm.s32 @!p1 $0x0  }
0x14: {  	s2 =	sld [smem:$0x3F8D];
	s0 =	simm.s32 @p1 $0x1  }
0x15: {  	[smem:$0x3FAA] =	sst s0;
	s0 =	simm.s32 @!p2 $0x0  }
0x16: {  	s3 =	sld [smem:$0x3FDB];
	s0 =	simm.s32 @p2 $0x1  }
0x17: {  	s4 =	simm.s32 $0x1BF5;
	[smem:$0x3FAC] =	sst s0  }
0x18: {  	s0 =	sld [smem:$0x3F8F];
	_ =	swait.ge [sflag:s4], $0x0  }
0x19: {  	s7 =	sld [smem:$0x3F90]  }
0x1a: {  	s8 =	sadd.s32 $0xFFFFE003, lr  }
0x1b: {  	s9 =	sadd.s32 $0xFFFFFEF7, lr;
	s5 =	simm.s32 $0xFFFFFFFF;
	p2 =	slt.u32 s8, $0xFFFFF086  }
0x1c: {  	p1 =	slt.u32 s9, $0xF7A;
	s5 =	simm.s32 @!p2 $0x0  }
0x1d: {  	s5 =	simm.s32 @p1 $0x1;
	p0 =	seq.s32 s7, s2  }
0x1e: {  	s7 =	smul.u32 @!p0 $0xF7A, s2;
	p2 =	seq.s32 @!p0 s5, $0x0  }
0x1f: {  	s9 =	smul.u32 $0xF7A, s1;
	s8 =	simm.s32 @!p0 $0x1BF5;
	p2 =	por !p2, p0  }
0x20: {  	[sflag:s8] =	ssyncset.s32 @!p0 $0xFFFFF086;
	s6 =	sadd.s32 @!p0 s3, s7;
	s7 =	simm.s32 @!p0 $0x108  }
0x21: {  	s3 =	sadd.s32 s3, s9;
	s6 =	sadd.s32 @!p0 $0x88, s6;
	s7 =	simm.s32 @p2 $0x1082  }
0x22: {  	[simem:s7], [sflag:s8] =	dma.local @!p0 [hbm:s6], $0xF7A  }
0x23: {  	s9 =	sor.u32 $0xD0000000, s2;
	s6 =	simm.s32 $0x108;
	_ =	swait.ge @!p0 [sflag:s8], $0x0  }
0x24: {  	s3 =	sadd.s32 $0x88, s3;
	s6 =	simm.s32 @!p1 $0x1082;
	[sflag:s4] =	ssyncset.s32 $0xFFFFF086  }
0x25: {  	[simem:s6], [sflag:s4] =	dma.local [hbm:s3], $0xF7A  }
0x26: {  	[smem:$0x3F90] =	sst s1;
	(tag) =	ssettag s2;
	_ =	strace s9  }
0x27: {  	s1 =	sld [smem:$0x3FA0]  }
0x28: {  	s2 =	sld [smem:$0x3FA1]  }
0x29: {  	s4 =	sld [smem:$0x3FA3]  }
0x2a: {  	p0 =	seq.s32 s5, $0x0;
	s5 =	sld [smem:$0x3FA4]  }
0x2b: {  	s6 =	sld [smem:$0x3FA5]  }
0x2c: {  	s7 =	sld [smem:$0x3FA6]  }
0x2d: {  	s3 =	simm.s32 $0x108;
	s8 =	sld [smem:$0x3FA7]  }
0x2e: {  	s3 =	simm.s32 @!p0 $0x1082;
	s9 =	sld [smem:$0x3FA8]  }
0x2f: {  	lr =	sadd.s32 s0, s3;
	s0 =	sld [smem:$0x3F9F]  }
0x30: {  	s3 =	sld [smem:$0x3FA2]  }
0x31: {  	[smem:$0x3FAB] =	sst s10  }
0x32: {  	s10 =	sld [smem:$0x3FA9];
	_ =	sdelay $0x3  }
0x33: {  	p0 =	seq.s32 s10, $0x1;
	s10 =	sld [smem:$0x3FAB];
	_ =	sdelay $0x3  }
0x34: {  	[smem:$0x3FAB] =	sst s10  }
0x35: {  	s10 =	sld [smem:$0x3FAA];
	_ =	sdelay $0x3  }
0x36: {  	p1 =	seq.s32 s10, $0x1;
	s10 =	sld [smem:$0x3FAB];
	_ =	sdelay $0x3  }
0x37: {  	[smem:$0x3FAB] =	sst s10  }
0x38: {  	s10 =	sld [smem:$0x3FAC]  }
0x39: {  	_ = 	snop;
	(pc) =	sbr.ind lr, $3  }
0x3a: {  	_ = 	snop  }
0x3b: {  	_ = 	snop  }
0x3c: {  	p2 =	seq.s32 s10, $0x1;
	s10 =	sld [smem:$0x3FAB]  }
0x3d: {  	_ =	shalt  }
0x3e: {  	_ =	shalt  }
0x3f: {  	_ =	shalt  }
0x40: {  	_ =	shalt  }
0x41: {  	_ =	shalt  }
0x42: {  	_ =	shalt  }
0x43: {  	_ =	shalt  }
0x44: {  	_ =	shalt  }
0x45: {  	_ =	shalt  }
0x46: {  	_ =	shalt  }
0x47: {  	_ =	shalt  }
0x48: {  	_ =	shalt  }
0x49: {  	_ =	shalt  }
0x4a: {  	_ =	shalt  }
0x4b: {  	_ =	shalt  }
0x4c: {  	_ =	shalt  }
0x4d: {  	_ =	shalt  }
0x4e: {  	_ =	shalt  }
0x4f: {  	_ =	shalt  }
0x50: {  	_ =	shalt  }
0x51: {  	_ =	shalt  }
0x52: {  	_ =	shalt  }
0x53: {  	_ =	shalt  }
0x54: {  	_ =	shalt  }
0x55: {  	_ =	shalt  }
0x56: {  	_ =	shalt  }
0x57: {  	_ =	shalt  }
0x58: {  	_ =	shalt  }
0x59: {  	_ =	shalt  }
0x5a: {  	_ =	shalt  }
0x5b: {  	_ =	shalt  }
0x5c: {  	_ =	shalt  }
0x5d: {  	_ =	shalt  }
0x5e: {  	_ =	shalt  }
0x5f: {  	_ =	shalt  }
0x60: {  	_ =	shalt  }
0x61: {  	_ =	shalt  }
0x62: {  	_ =	shalt  }
0x63: {  	_ =	shalt  }
0x64: {  	_ =	shalt  }
0x65: {  	_ =	shalt  }
0x66: {  	_ =	shalt  }
0x67: {  	_ =	shalt  }
0x68: {  	_ =	shalt  }
0x69: {  	_ =	shalt  }
0x6a: {  	_ =	shalt  }
0x6b: {  	_ =	shalt  }
0x6c: {  	_ =	shalt  }
0x6d: {  	_ =	shalt  }
0x6e: {  	_ =	shalt  }
0x6f: {  	_ =	shalt  }
0x70: {  	_ =	shalt  }
0x71: {  	_ =	shalt  }
0x72: {  	_ =	shalt  }
0x73: {  	_ =	shalt  }
0x74: {  	_ =	shalt  }
0x75: {  	_ =	shalt  }
0x76: {  	_ =	shalt  }
0x77: {  	_ =	shalt  }
0x78: {  	_ =	shalt  }
0x79: {  	_ =	shalt  }
0x7a: {  	_ =	shalt  }
0x7b: {  	_ =	shalt  }
0x7c: {  	_ =	shalt  }
0x7d: {  	_ =	shalt  }
0x7e: {  	_ =	shalt  }
0x7f: {  	_ =	shalt  }
0x80: {  	_ =	shalt  }
0x81: {  	_ =	shalt  }
0x82: {  	_ =	shalt  }
0x83: {  	_ =	shalt  }
0x84: {  	_ =	shalt  }
0x85: {  	_ =	shalt  }
0x86: {  	_ =	shalt  }
0x87: {  	_ =	shalt  }
.Lfunc_end0:
.L_simem_size_0:
called_computation_lowered:
.L_overlay_start_0:
0x88: {  	s2 =	sld [smem:$0x3FD9]  }
0x89: {  	s3 =	sld [smem:$0x3FFE];
	_ =	sdelay $0x1  }
0x8a: {  	s1 =	srdreg.scid  }
0x8b: {  	s0 =	sand.u32 $0x1, s1  }
0x8c: {  	s17 =	sshll.u32 s0, $0xA;
	s2 =	sadd.s32 s3, s2  }
0x8d: {  	s2 =	sadd.s32 s2, s17  }
0x8e: {  	[smem:$0x3FB7] =	sst s2  }
0x8f: {  	_ = 	snop  }
0x90: {  	s2 =	sld [smem:$0x3FC7];
	(tm) =	ssettm $0x1  }
0x91: {  	s18 =	sld [smem:$0x3FFB];
	_ =	sdelay $0x3  }
0x92: {  	_ =	strace s18  }
0x93: {  	s3 =	sld [smem:$0x3FFC];
	_ =	sdelay $0x3  }
0x94: {  	_ =	strace s3  }
0x95: {  	s3 =	sld [smem:$0x3FFD];
	_ =	sdelay $0x3  }
0x96: {  	_ =	strace s3  }
0x97: {  	_ =	strace $0x8FFFFFFF  }
0x98: {  	s19 =	sld [smem:$0x3FDB];
	_ =	sdelay $0x1  }
0x99: {  	s4 =	simm.s32 $_scs_section_size  }
0x9a: {  	s5 =	simm.s32 $_size__tile_overlayer_lowered;
	s6 =	simm.s32 $_tile_overlayer_lowered  }
0x9b: {  	s22 =	simm.s32 $0x1BFF;
	s21 =	sshll.u32 s6, $0x1;
	s3 =	sadd.s32 s4, s19  }
0x9c: {  	s7 =	simm.s32 $0x0;
	s20 =	sshll.u32 s5, $0x1;
	s5 =	sadd.s32 s21, s3  }
0x9d: {  	[timem:s7], [sflag:s22] =	dma.local [hbm:s5], s20  }
0x9e: {  	_ =	swait.ge [sflag:s22], s20  }
0x9f: {  	s4 =	ssub.s32 $0x0, s20;
	[sflag:s22] =	ssyncset.done $0x0  }
0xa0: {  	[sflag:s22] =	ssyncadd.s32 s4;
	_ =	sdelay $0x1  }
0xa1: {  	s23 =	simm.s32 $0x1B8B  }
0xa2: {  	_ =	swait.ge [sflag:s23], $0x1  }
0xa3: {  	[sflag:s23] =	ssyncset.done $0x0  }
0xa4: {  	s25 =	simm.s32 $0x1B8E;
	s24 =	sld [smem:$0x3FFE];
	[sflag:s23] =	ssyncadd.s32 $0xFFFFFFFF  }
0xa5: {  	s26 =	simm.s32 $execute0_lowered;
	[smem:$0x3FD2] =	sst s25  }
0xa6: {  	s5 =	sshll.u32 s26, $0x1;
	_ =	strace $0x80000046;
	[dreg:$0x1] =	wrdreg $0xFFFFFFFF  }
0xa7: {  	s28 =	simm.s32 $_size_execute0_lowered;
	s3 =	sadd.s32 s3, s5;
	[dreg:$0x0] =	wrdreg $0x0  }
0xa8: {  	s5 =	sshll.u32 s28, $0x1;
	[dreg:$0x2] =	wrdreg s3  }
0xa9: {  	[dreg:$0x3] =	wrdreg s5  }
0xaa: {  	[dreg:$0x4] =	wrdreg $0xC0  }
0xab: {  	_ =	task [dreg:s7], $0x5FFFF  }
0xac: {  	[dreg:$0x1] =	wrdreg $0xFFFFFFFF  }
0xad: {  	[dreg:$0x0] =	wrdreg $0x60  }
0xae: {  	[dreg:$0x2] =	wrdreg s2  }
0xaf: {  	[dreg:$0x3] =	wrdreg s24  }
0xb0: {  	[dreg:$0x4] =	wrdreg $0x9  }
0xb1: {  	_ =	task.clear_ibuf [dreg:s7], $0x5FFFF;
	_ =	strace $0x90000046  }
0xb2: {  	s29 =	simm.s32 $0x9;
	_ =	strace $0x80000048  }
0xb3: {  	_ =	swait.ge [sflag:s29], $0x1  }
0xb4: {  	[sflag:s29] =	ssyncadd.s32 $0xFFFFFFFF  }
0xb5: {  	_ =	strace $0x90000048  }
0xb6: {  	_ =	sfence  }
0xb7: {  	s30 =	sld [smem:$0x0];
	_ =	sdelay $0x2  }
0xb8: {  	s31 =	sshll.u32 s1, $0xD;
	s1 =	sshrl.u32 s1, $0x2  }
0xb9: {  	s3 =	sand.u32 $0x4000, s31;
	s1 =	sadd.s32 s1, s30  }
0xba: {  	s0 =	sor.u32 s3, s0;
	s1 =	sshll.u32 s1, $0x11  }
0xbb: {  	s0 =	sor.u32 s1, s0  }
0xbc: {  	s0 =	sadd.s32 $0x8F2B, s0  }
0xbd: {  	[sflag:s0] =	ssyncadd.remote.s32 $0x1  }
0xbe: {  	_ =	sfence.sel $0xFFFF  }
0xbf: {  	[dreg:$0x0] =	wrdreg $0xFFFFFFFF;
	(pc) =	sbr.abs _section_cstart, $3  }
0xc0: {  	[dreg:$0x1] =	wrdreg $0xFFFFFFFF  }
0xc1: {  	_ =	task.clear_ibuf [dreg:s7], $0x2FFFF;
	_ =	strace $0x9FFFFFFF  }
0xc2: {  	(tm) =	ssettm $0x7FFFFFFF  }
0xc3: {  	_ =	shalt  }
tec
execute0_lowered:
.L_overlay_start_1:
0x0: {  	(tag) =	ssettag $0x1  }
0x1: {  	s3 =	rddreg [dreg:$0x0]  }
0x2: {  	s0 =	srdreg.scid;
	s5 =	rddreg [dreg:$0x1]  }
0x3: {  	s1 =	stileid.u32;
	s2 =	simm.s32 $0x0;
	s14 =	simm.s32 $0x2780  }
0x4: {  	s15 =	simm.s32 $0x3B80;
	s16 =	simm.s32 $0x4E90;
	s17 =	simm.s32 $0x6290  }
0x5: {  	s18 =	simm.s32 $0x75A0;
	s19 =	simm.s32 $0x89A0;
	s20 =	simm.s32 $0x9CB0  }
0x6: {  	s21 =	simm.s32 $0xB0B0;
	s22 =	simm.s32 $0x1;
	s23 =	simm.s32 $0x2  }
0x7: {  	s24 =	simm.s32 $0x3;
	s25 =	simm.s32 $0xC400;
	s26 =	simm.s32 $0x4  }
0x8: {  	s28 =	simm.s32 $0x0;
	s4 =	sand.u32 $0x1, s0;
	s0 =	rddreg [dreg:$0x2]  }
0x9: {  	[smem:$0x7FF] =	sst s2;
	s8 =	sshll.u32 s1, $0x4;
	s6 =	sshll.u32 s4, $0x4  }
0xa: {  	_ =	strace $0x80000047;
	s4 =	ssub.s32 $0x2, s4;
	s6 =	sor.u32 s1, s6  }
0xb: {  	s8 =	sand.u32 $0x70, s8;
	s9 =	sshrl.u32 s4, $0x1;
	s7 =	smul.u32 $0x2710, s6  }
0xc: {  	s10 =	sadd.s32 s8, s5;
	s13 =	ssub.s32 s4, s9;
	s31 =	sshll.u32 s6, $0x4  }
0xd: {  	s12 =	sand.u32 $0x180, s31;
	s13 =	smax.u32 s13, $0x1;
	s7 =	sshrl.u32 s7, $0x3  }
0xe: {  	s12 =	sadd.s32 s12, s10;
	s11 =	sadd.s32 s7, s5;
	s3 =	sadd.s32 s3, s7  }
0xf: {  	s12 =	sadd.s32 $0x29400, s12;
	s4 =	sadd.s32 $0x2200, s11;
	s5 =	sadd.s32 $0x2480, s11  }
0x10: {  	s6 =	sadd.s32 $0xBE40, s11;
	s7 =	sadd.s32 $0xC0C0, s11;
	s8 =	sadd.s32 $0x15A80, s11  }
0x11: {  	v0 =	vimm.f32 $0.0e+00;
	s9 =	sadd.s32 $0x15D00, s11;
	s10 =	sadd.s32 $0x1F6C0, s11;
	s11 =	sadd.s32 $0x1F940, s11  }
.LBB2_1:
0x12: {  	[tilespmem:s2], [sflag:$0x1] =	stream.linear.gather [hbm4b:s3+s2], $0x2710, $0x38;
	[tilespmem:$0xC480] =	vst v63  }
0x13: {  	_ = 	snop  }
0x14: {  	[tilespmem:s14], [sflag:$0x2] =	stream.linear.gather [hbm4b:s4+s2], $0x1400, $0x38;
	[tilespmem:$0xC480] =	vst v63  }
0x15: {  	_ = 	snop  }
0x16: {  	[tilespmem:s15], [sflag:$0x3] =	stream.linear.gather [hbm4b:s5+s2], $0x1310, $0x38;
	[tilespmem:$0xC480] =	vst v63  }
0x17: {  	_ = 	snop  }
0x18: {  	[tilespmem:s16], [sflag:$0x2] =	stream.linear.gather [hbm4b:s6+s2], $0x1400, $0x38;
	[tilespmem:$0xC480] =	vst v63  }
0x19: {  	_ = 	snop  }
0x1a: {  	[tilespmem:s17], [sflag:$0x3] =	stream.linear.gather [hbm4b:s7+s2], $0x1310, $0x38;
	[tilespmem:$0xC480] =	vst v63  }
0x1b: {  	_ = 	snop  }
0x1c: {  	[tilespmem:s18], [sflag:$0x2] =	stream.linear.gather [hbm4b:s8+s2], $0x1400, $0x38;
	[tilespmem:$0xC480] =	vst v63  }
0x1d: {  	_ = 	snop  }
0x1e: {  	[tilespmem:s19], [sflag:$0x3] =	stream.linear.gather [hbm4b:s9+s2], $0x1310, $0x38;
	[tilespmem:$0xC480] =	vst v63  }
0x1f: {  	_ = 	snop  }
0x20: {  	[tilespmem:s20], [sflag:$0x2] =	stream.linear.gather [hbm4b:s10+s2], $0x1400, $0x38;
	[tilespmem:$0xC480] =	vst v63  }
0x21: {  	_ = 	snop  }
0x22: {  	[tilespmem:s21], [sflag:$0x3] =	stream.linear.gather [hbm4b:s11+s2], $0x1310, $0x38;
	[tilespmem:$0xC480] =	vst v63  }
0x23: {  	_ =	swait.ge [sflag:s22], $0x2710  }
0x24: {  	[sflag:s22] =	ssyncset.done $0x0  }
0x25: {  	[sflag:s22] =	ssyncadd.s32 $0xFFFFD8F0  }
0x26: {  	_ =	swait.ge [sflag:s23], $0x1400  }
0x27: {  	[sflag:s23] =	ssyncset.done $0x0  }
0x28: {  	[sflag:s23] =	ssyncadd.s32 $0xFFFFEC00  }
0x29: {  	_ =	swait.ge [sflag:s23], $0x1400  }
0x2a: {  	[sflag:s23] =	ssyncset.done $0x0  }
0x2b: {  	[sflag:s23] =	ssyncadd.s32 $0xFFFFEC00  }
0x2c: {  	_ =	swait.ge [sflag:s23], $0x1400  }
0x2d: {  	[sflag:s23] =	ssyncset.done $0x0  }
0x2e: {  	[sflag:s23] =	ssyncadd.s32 $0xFFFFEC00  }
0x2f: {  	_ =	swait.ge [sflag:s23], $0x1400  }
0x30: {  	[sflag:s23] =	ssyncset.done $0x0  }
0x31: {  	s29 =	simm.s32 $0x0;
	[sflag:s23] =	ssyncadd.s32 $0xFFFFEC00  }
0x32: {  	v1 =	vld [tilespmem:s29+$0x27C0]  }
0x33: {  	v2 =	vld [tilespmem:s29+$0x4ED0]  }
0x34: {  	v5 =	vld [tilespmem:s29+$0x40]  }
0x35: {  	v6 =	vld [tilespmem:s29+$0x0]  }
0x36: {  	v3 =	vld [tilespmem:s29+$0x27B0]  }
0x37: {  	v7 =	vld [tilespmem:s29+$0x10]  }
0x38: {  	v4 =	vld [tilespmem:s29+$0x4EC0]  }
0x39: {  	v10 =	vld [tilespmem:s29+$0x20]  }
0x3a: {  	v13 =	vld [tilespmem:s29+$0x30]  }
0x3b: {  	v8 =	vld [tilespmem:s29+$0x27A0]  }
0x3c: {  	v9 =	vld [tilespmem:s29+$0x4EB0];
	vm3 =	veq.s32 v6, $0x0  }
0x3d: {  	v11 =	vld [tilespmem:s29+$0x2790];
	vm2 =	veq.s32 v7, $0x0;
	v6 =	vsel vm3, $0x3F800000, v0  }
0x3e: {  	v12 =	vld [tilespmem:s29+$0x4EA0];
	vm1 =	veq.s32 v10, $0x0;
	vm0 =	veq.s32 v5, $0x0;
	v6 =	vadd.f32 v6, v0  }
0x3f: {  	v15 =	vld [tilespmem:s29+$0x2780];
	v10 =	vimm.f32 $0.0e+00;
	v5 =	vimm.f32 $0.0e+00;
	v7 =	vsel vm2, $0x3F800000, v0  }
0x40: {  	s30 =	simm.s32 $0x140;
	v14 =	vld [tilespmem:s29+$0x4E90];
	v16 =	vadd.f32 v7, v6;
	v7 =	vimm.f32 $0.0e+00;
	v6 =	vimm.f32 $0.0e+00  }
.LBB2_2:
0x41: {  	p0 =	sne.s32 s30, $0x4EC0;
	v17 =	vld [tilespmem:s29+$0x75A0];
	v18 =	vsel vm1, $0x3F800000, v0;
	vm4 =	veq.s32 v13, $0x0;
	v13 =	vsel vm0, $0x3F800000, v0  }
0x42: {  	v20 =	vnsel vm0, $0x0, v2;
	v19 =	vld [tilespmem:s29+$0x9CB0];
	v16 =	vadd.f32 v18, v16;
	v18 =	vnsel vm0, $0x0, v1  }
0x43: {  	v2 =	vsel vm4, $0x3F800000, v0;
	v3 =	vnsel vm4, $0x0, v3;
	v4 =	vnsel vm4, $0x0, v4;
	v1 =	vld [tilespmem:s29+$0x75B0]  }
0x44: {  	v8 =	vnsel vm1, $0x0, v8;
	v9 =	vnsel vm1, $0x0, v9;
	v21 =	vld [tilespmem:s29+$0x9CC0];
	v2 =	vadd.f32 v2, v16  }
0x45: {  	v11 =	vnsel vm2, $0x0, v11;
	v12 =	vnsel vm2, $0x0, v12;
	v15 =	vnsel vm3, $0x0, v15;
	v16 =	vld [tilespmem:s29+$0x75C0]  }
0x46: {  	v14 =	vnsel vm3, $0x0, v14;
	v17 =	vnsel vm3, $0x0, v17;
	v22 =	vld [tilespmem:s29+$0x9CD0];
	v23 =	vadd.f32 v13, v2  }
0x47: {  	v2 =	vadd.f32 v15, v10;
	v5 =	vadd.f32 v14, v5;
	v10 =	vnsel vm3, $0x0, v19;
	v13 =	vld [tilespmem:s29+$0x75D0]  }
0x48: {  	v7 =	vadd.f32 v17, v7;
	v6 =	vadd.f32 v10, v6;
	v1 =	vnsel vm2, $0x0, v1;
	v10 =	vld [tilespmem:s29+$0x9CE0]  }
0x49: {  	v2 =	vadd.f32 v11, v2;
	v5 =	vadd.f32 v12, v5;
	v11 =	vnsel vm2, $0x0, v21;
	v12 =	vld [tilespmem:s29+$0x75E0]  }
0x4a: {  	v7 =	vadd.f32 v1, v7;
	v6 =	vadd.f32 v11, v6;
	v11 =	vnsel vm1, $0x0, v16;
	v14 =	vld [tilespmem:s29+$0x9CF0];
	s29 =	sshra.s32 s30, $0x2  }
0x4b: {  	v8 =	vadd.f32 v8, v2;
	v5 =	vadd.f32 v9, v5;
	v1 =	vld [tilespmem:s29+$0x27C0];
	v9 =	vnsel vm1, $0x0, v22  }
0x4c: {  	v7 =	vadd.f32 v11, v7;
	v2 =	vld [tilespmem:s29+$0x4ED0];
	v6 =	vadd.f32 v9, v6;
	v9 =	vnsel vm4, $0x0, v13  }
0x4d: {  	v8 =	vadd.f32 v3, v8;
	v5 =	vadd.f32 v4, v5;
	v17 =	vld [tilespmem:s29+$0x40];
	v4 =	vnsel vm4, $0x0, v10  }
0x4e: {  	v7 =	vadd.f32 v9, v7;
	v3 =	vld [tilespmem:s29+$0x27B0];
	v6 =	vadd.f32 v4, v6;
	v9 =	vnsel vm0, $0x0, v12  }
0x4f: {  	v10 =	vadd.f32 v18, v8;
	v5 =	vadd.f32 v20, v5;
	v4 =	vld [tilespmem:s29+$0x4EC0];
	v8 =	vnsel vm0, $0x0, v14  }
0x50: {  	v7 =	vadd.f32 v9, v7;
	v11 =	vld [tilespmem:s29+$0x0];
	v6 =	vadd.f32 v8, v6  }
0x51: {  	v13 =	vld [tilespmem:s29+$0x30]  }
0x52: {  	v12 =	vld [tilespmem:s29+$0x10]  }
0x53: {  	v8 =	vld [tilespmem:s29+$0x27A0]  }
0x54: {  	v18 =	vld [tilespmem:s29+$0x20]  }
.Ltmp0:
0x55: {  	vm3 =	veq.s32 v11, $0x0;
	v9 =	vld [tilespmem:s29+$0x4EB0];
	(pc) =	sbr.rel @p0 .LBB2_2-.Ltmp0, $4  }
0x56: {  	v14 =	vsel vm3, $0x3F800000, v0;
	v11 =	vld [tilespmem:s29+$0x2790]  }
0x57: {  	v16 =	vadd.f32 v14, v23;
	vm2 =	veq.s32 v12, $0x0;
	v12 =	vld [tilespmem:s29+$0x4EA0]  }
0x58: {  	v15 =	vld [tilespmem:s29+$0x2780];
	v19 =	vsel vm2, $0x3F800000, v0  }
0x59: {  	s30 =	sadd.s32 $0x140, s30;
	vm0 =	veq.s32 v17, $0x0;
	v14 =	vld [tilespmem:s29+$0x4E90];
	v16 =	vadd.f32 v19, v16;
	vm1 =	veq.s32 v18, $0x0  }
0x5a: {  	v17 =	vld [tilespmem:s29+$0x75A0]  }
0x5b: {  	v18 =	vld [tilespmem:s29+$0x9CB0]  }
0x5c: {  	v19 =	vld [tilespmem:s29+$0x75B0]  }
0x5d: {  	v20 =	vld [tilespmem:s29+$0x9CC0]  }
0x5e: {  	v21 =	vld [tilespmem:s29+$0x75C0]  }
0x5f: {  	v22 =	vld [tilespmem:s29+$0x9CD0]  }
0x60: {  	v23 =	vld [tilespmem:s29+$0x75D0]  }
0x61: {  	v24 =	vld [tilespmem:s29+$0x9CE0]  }
0x62: {  	v25 =	vld [tilespmem:s29+$0x75E0]  }
0x63: {  	v26 =	vld [tilespmem:s29+$0x9CF0];
	_ =	swait.ge [sflag:s24], $0x1310  }
0x64: {  	[sflag:s24] =	ssyncset.done $0x0  }
0x65: {  	[sflag:s24] =	ssyncadd.s32 $0xFFFFECF0  }
0x66: {  	_ =	swait.ge [sflag:s24], $0x1310  }
0x67: {  	[sflag:s24] =	ssyncset.done $0x0  }
0x68: {  	[sflag:s24] =	ssyncadd.s32 $0xFFFFECF0  }
0x69: {  	v27 =	vsel vm1, $0x3F800000, v0;
	_ =	swait.ge [sflag:s24], $0x1310  }
0x6a: {  	vm4 =	veq.s32 v13, $0x0;
	v13 =	vadd.f32 v27, v16;
	[sflag:s24] =	ssyncset.done $0x0  }
0x6b: {  	v16 =	vsel vm4, $0x3F800000, v0;
	[sflag:s24] =	ssyncadd.s32 $0xFFFFECF0  }
0x6c: {  	v13 =	vadd.f32 v16, v13;
	_ =	swait.ge [sflag:s24], $0x1310  }
0x6d: {  	v1 =	vnsel vm0, $0x0, v1;
	v16 =	vsel vm0, $0x3F800000, v0;
	v15 =	vnsel vm3, $0x0, v15;
	[sflag:s24] =	ssyncset.done $0x0  }
0x6e: {  	s29 =	simm.s32 $0x0;
	v10 =	vadd.f32 v15, v10;
	v14 =	vnsel vm3, $0x0, v14;
	v13 =	vadd.f32 v16, v13;
	[sflag:s24] =	ssyncadd.s32 $0xFFFFECF0  }
0x6f: {  	v14 =	vadd.f32 v14, v5;
	v15 =	vnsel vm3, $0x0, v17;
	v16 =	vnsel vm3, $0x0, v18;
	v5 =	vld [tilespmem:s29+$0x3BC0]  }
0x70: {  	v11 =	vnsel vm2, $0x0, v11;
	v7 =	vadd.f32 v15, v7;
	v15 =	vadd.f32 v16, v6;
	v6 =	vld [tilespmem:s29+$0x62D0]  }
0x71: {  	v12 =	vnsel vm2, $0x0, v12;
	v16 =	vnsel vm2, $0x0, v19;
	v10 =	vadd.f32 v11, v10;
	v17 =	vld [tilespmem:s29+$0x1440]  }
0x72: {  	v11 =	vadd.f32 v12, v14;
	v12 =	vnsel vm2, $0x0, v20;
	v14 =	vadd.f32 v16, v7;
	v7 =	vld [tilespmem:s29+$0x3BB0]  }
0x73: {  	v16 =	vnsel vm1, $0x0, v8;
	v12 =	vadd.f32 v12, v15;
	v15 =	vnsel vm0, $0x0, v2;
	v8 =	vld [tilespmem:s29+$0x62C0]  }
0x74: {  	v2 =	vnsel vm1, $0x0, v9;
	v9 =	vadd.f32 v16, v10;
	v16 =	vnsel vm1, $0x0, v21;
	v10 =	vld [tilespmem:s29+$0x1400]  }
0x75: {  	v18 =	vnsel vm1, $0x0, v22;
	v2 =	vadd.f32 v2, v11;
	v14 =	vadd.f32 v16, v14;
	v11 =	vld [tilespmem:s29+$0x1430]  }
0x76: {  	v3 =	vnsel vm4, $0x0, v3;
	v12 =	vadd.f32 v18, v12;
	v18 =	vnsel vm4, $0x0, v23;
	v16 =	vld [tilespmem:s29+$0x1410]  }
0x77: {  	v4 =	vnsel vm4, $0x0, v4;
	v3 =	vadd.f32 v3, v9;
	v14 =	vadd.f32 v18, v14;
	v18 =	vld [tilespmem:s29+$0x1420]  }
0x78: {  	v62 =	vnsel vm0, $0x0, v25;
	v4 =	vadd.f32 v4, v2;
	v2 =	vnsel vm4, $0x0, v24;
	v9 =	vld [tilespmem:s29+$0x3BA0]  }
0x79: {  	v19 =	vadd.f32 v2, v12;
	v12 =	vld [tilespmem:s29+$0x3B90];
	v2 =	vadd.f32 v1, v3;
	vm3 =	veq.s32 v10, $0x0  }
0x7a: {  	v1 =	vadd.f32 v15, v4;
	v4 =	vadd.f32 v62, v14;
	v14 =	vld [tilespmem:s29+$0x6290];
	v3 =	vsel vm3, $0x3F800000, v0  }
0x7b: {  	v10 =	vld [tilespmem:s29+$0x62B0];
	vm2 =	veq.s32 v16, $0x0;
	v63 =	vadd.f32 v3, v13  }
0x7c: {  	v15 =	vnsel vm0, $0x0, v26;
	vm1 =	veq.s32 v18, $0x0;
	v16 =	vsel vm2, $0x3F800000, v0;
	v13 =	vld [tilespmem:s29+$0x62A0]  }
0x7d: {  	s30 =	simm.s32 $0x140;
	vm0 =	veq.s32 v17, $0x0;
	v3 =	vadd.f32 v15, v19;
	v15 =	vld [tilespmem:s29+$0x3B80];
	v16 =	vadd.f32 v16, v63  }
.LBB2_4:
0x7e: {  	p0 =	sne.s32 s30, $0x4B00;
	v17 =	vld [tilespmem:s29+$0x89A0];
	v18 =	vsel vm1, $0x3F800000, v0;
	vm4 =	veq.s32 v11, $0x0;
	v11 =	vsel vm0, $0x3F800000, v0  }
0x7f: {  	v20 =	vnsel vm0, $0x0, v6;
	v19 =	vld [tilespmem:s29+$0xB0B0];
	v16 =	vadd.f32 v18, v16;
	v18 =	vnsel vm0, $0x0, v5  }
0x80: {  	v6 =	vsel vm4, $0x3F800000, v0;
	v7 =	vnsel vm4, $0x0, v7;
	v8 =	vnsel vm4, $0x0, v8;
	v5 =	vld [tilespmem:s29+$0x89B0]  }
0x81: {  	v9 =	vnsel vm1, $0x0, v9;
	v10 =	vnsel vm1, $0x0, v10;
	v21 =	vld [tilespmem:s29+$0xB0C0];
	v6 =	vadd.f32 v6, v16  }
0x82: {  	v12 =	vnsel vm2, $0x0, v12;
	v13 =	vnsel vm2, $0x0, v13;
	v15 =	vnsel vm3, $0x0, v15;
	v16 =	vld [tilespmem:s29+$0x89C0]  }
0x83: {  	v14 =	vnsel vm3, $0x0, v14;
	v17 =	vnsel vm3, $0x0, v17;
	v22 =	vld [tilespmem:s29+$0xB0D0];
	v23 =	vadd.f32 v11, v6  }
0x84: {  	v2 =	vadd.f32 v15, v2;
	v1 =	vadd.f32 v14, v1;
	v6 =	vnsel vm3, $0x0, v19;
	v11 =	vld [tilespmem:s29+$0x89D0]  }
0x85: {  	v4 =	vadd.f32 v17, v4;
	v3 =	vadd.f32 v6, v3;
	v5 =	vnsel vm2, $0x0, v5;
	v14 =	vld [tilespmem:s29+$0xB0E0]  }
0x86: {  	v2 =	vadd.f32 v12, v2;
	v1 =	vadd.f32 v13, v1;
	v6 =	vnsel vm2, $0x0, v21;
	v12 =	vld [tilespmem:s29+$0x89E0]  }
0x87: {  	v4 =	vadd.f32 v5, v4;
	v3 =	vadd.f32 v6, v3;
	v13 =	vnsel vm1, $0x0, v16;
	v15 =	vld [tilespmem:s29+$0xB0F0];
	s29 =	sshra.s32 s30, $0x2  }
0x88: {  	v2 =	vadd.f32 v9, v2;
	v1 =	vadd.f32 v10, v1;
	v5 =	vld [tilespmem:s29+$0x3BC0];
	v9 =	vnsel vm1, $0x0, v22  }
0x89: {  	v4 =	vadd.f32 v13, v4;
	v6 =	vld [tilespmem:s29+$0x62D0];
	v3 =	vadd.f32 v9, v3;
	v9 =	vnsel vm4, $0x0, v11  }
0x8a: {  	v2 =	vadd.f32 v7, v2;
	v1 =	vadd.f32 v8, v1;
	v17 =	vld [tilespmem:s29+$0x1440];
	v8 =	vnsel vm4, $0x0, v14  }
0x8b: {  	v4 =	vadd.f32 v9, v4;
	v7 =	vld [tilespmem:s29+$0x3BB0];
	v3 =	vadd.f32 v8, v3;
	v9 =	vnsel vm0, $0x0, v12  }
0x8c: {  	v2 =	vadd.f32 v18, v2;
	v1 =	vadd.f32 v20, v1;
	v8 =	vld [tilespmem:s29+$0x62C0];
	v10 =	vnsel vm0, $0x0, v15  }
0x8d: {  	v4 =	vadd.f32 v9, v4;
	v12 =	vld [tilespmem:s29+$0x1400];
	v3 =	vadd.f32 v10, v3  }
0x8e: {  	v11 =	vld [tilespmem:s29+$0x1430]  }
0x8f: {  	v13 =	vld [tilespmem:s29+$0x1410]  }
0x90: {  	v9 =	vld [tilespmem:s29+$0x3BA0]  }
0x91: {  	v18 =	vld [tilespmem:s29+$0x1420]  }
.Ltmp1:
0x92: {  	vm3 =	veq.s32 v12, $0x0;
	v10 =	vld [tilespmem:s29+$0x62B0];
	(pc) =	sbr.rel @p0 .LBB2_4-.Ltmp1, $4  }
0x93: {  	v14 =	vsel vm3, $0x3F800000, v0;
	v12 =	vld [tilespmem:s29+$0x3B90]  }
0x94: {  	v16 =	vadd.f32 v14, v23;
	vm2 =	veq.s32 v13, $0x0;
	v13 =	vld [tilespmem:s29+$0x62A0]  }
0x95: {  	v15 =	vld [tilespmem:s29+$0x3B80];
	v19 =	vsel vm2, $0x3F800000, v0  }
0x96: {  	s30 =	sadd.s32 $0x140, s30;
	vm0 =	veq.s32 v17, $0x0;
	v14 =	vld [tilespmem:s29+$0x6290];
	v16 =	vadd.f32 v19, v16;
	vm1 =	veq.s32 v18, $0x0  }
0x97: {  	v17 =	vld [tilespmem:s29+$0x89A0];
	v18 =	vsel vm1, $0x3F800000, v0;
	vm4 =	veq.s32 v11, $0x0  }
0x98: {  	v47 =	vld [tilespmem:s29+$0xB0B0];
	v5 =	vnsel vm0, $0x0, v5;
	v6 =	vnsel vm0, $0x0, v6;
	v9 =	vnsel vm1, $0x0, v9  }
0x99: {  	v48 =	vld [tilespmem:s29+$0x89B0];
	v10 =	vnsel vm1, $0x0, v10;
	v16 =	vadd.f32 v18, v16;
	v19 =	vsel vm4, $0x3F800000, v0  }
0x9a: {  	v20 =	vld [tilespmem:s29+$0xB0C0];
	v7 =	vnsel vm4, $0x0, v7;
	v8 =	vnsel vm4, $0x0, v8;
	v15 =	vnsel vm3, $0x0, v15  }
0x9b: {  	v21 =	vld [tilespmem:s29+$0x89C0];
	v12 =	vnsel vm2, $0x0, v12;
	v14 =	vnsel vm3, $0x0, v14;
	v2 =	vadd.f32 v15, v2  }
0x9c: {  	v50 =	vld [tilespmem:s29+$0xB0D0];
	v13 =	vnsel vm2, $0x0, v13;
	v49 =	vnsel vm3, $0x0, v17;
	v1 =	vadd.f32 v14, v1  }
0x9d: {  	v51 =	vld [tilespmem:s29+$0x89D0];
	v11 =	vnsel vm3, $0x0, v47;
	v4 =	vadd.f32 v49, v4;
	v2 =	vadd.f32 v12, v2  }
0x9e: {  	v53 =	vld [tilespmem:s29+$0xB0E0];
	v52 =	vnsel vm2, $0x0, v48;
	v3 =	vadd.f32 v11, v3;
	v1 =	vadd.f32 v13, v1  }
0x9f: {  	v55 =	vld [tilespmem:s29+$0x89E0];
	v54 =	vnsel vm2, $0x0, v20;
	v4 =	vadd.f32 v52, v4;
	v2 =	vadd.f32 v9, v2  }
0xa0: {  	v57 =	vld [tilespmem:s29+$0xB0F0];
	v56 =	vnsel vm1, $0x0, v21;
	v3 =	vadd.f32 v54, v3;
	v1 =	vadd.f32 v10, v1  }
0xa1: {  	v58 =	vnsel vm1, $0x0, v50;
	v4 =	vadd.f32 v56, v4;
	v2 =	vadd.f32 v7, v2  }
0xa2: {  	v59 =	vnsel vm4, $0x0, v51;
	v3 =	vadd.f32 v58, v3;
	v1 =	vadd.f32 v8, v1  }
0xa3: {  	v60 =	vnsel vm4, $0x0, v53;
	v4 =	vadd.f32 v59, v4;
	v2 =	vadd.f32 v5, v2  }
0xa4: {  	v61 =	vnsel vm0, $0x0, v55;
	v3 =	vadd.f32 v60, v3;
	v1 =	vadd.f32 v6, v1  }
0xa5: {  	v62 =	vadd.f32 v19, v16;
	v63 =	vnsel vm0, $0x0, v57;
	v4 =	vadd.f32 v61, v4;
	[tilespmem:$0xC400] =	vst v2  }
0xa6: {  	v2 =	vsel vm0, $0x3F800000, v0;
	v3 =	vadd.f32 v63, v3;
	[tilespmem:$0xC410] =	vst v1  }
0xa7: {  	s28 =	sadd.s32 $0x1, s28;
	v1 =	vadd.f32 v2, v62;
	[tilespmem:$0xC420] =	vst v4  }
0xa8: {  	p0 =	sne.s32 s28, s13;
	[tilespmem:$0xC430] =	vst v3  }
.Ltmp2:
0xa9: {  	[tilespmem:$0xC440] =	vst v1;
	(pc) =	sbr.rel @p0 .LBB2_1-.Ltmp2, $4  }
0xaa: {  	[hbm4b:s12+s2] =	stream.linear.scatter [tilespmem:s25], [sflag:$0x4], $0x80, $0x38;
	[tilespmem:$0xC480] =	vst v63  }
0xab: {  	_ =	swait.ge [sflag:s26], $0x80  }
0xac: {  	[sflag:s26] =	ssyncset.done $0x0  }
0xad: {  	[sflag:s26] =	ssyncadd.s32 $0xFFFFFF80  }
0xae: {  	_ =	sfence.sel $0x180000  }
0xaf: {  	[bflag:$0x0] =	sbarrier.arrive $0xFFFF  }
0xb0: {  	p0 =	sne.s32 s1, $0x0;
	_ =	strace $0x90000047  }
0xb1: {  	s0 =	sadd.s32 @!p0 $0x100000, s0;
	[bflag:$0x2] =	sbarrier.arrive $0xFFFF  }
0xb2: {  	[sflag:s0] =	ssyncadd.tile.s32 @!p0 $0x1;
	_ =	shalt  }
.Lfunc_end2:
_tile_overlayer_lowered:
.L_overlay_start_2:
0xb3: {  	(tag) =	ssettag $0x2  }
0xb4: {  	s0 =	rddreg [dreg:$0x0];
	s2 =	stileid.u32  }
0xb5: {  	s1 =	rddreg [dreg:$0x1];
	p0 =	sne.s32 s2, $0x0  }
0xb6: {  	s3 =	rddreg [dreg:$0x2];
	[bflag:$0x3] =	sbarrier.arrive $0xFFFF;
	s2 =	simm.s32 @!p0 $0x1C04  }
0xb7: {  	[timem:s3], [sflag:s2] =	dma.local @!p0 [hbm:s0], s1  }
0xb8: {  	s0 =	simm.s32 @!p0 $0x4  }
0xb9: {  	_ =	swait.ge @!p0 [sflag:s0], s1  }
0xba: {  	s1 =	ssub.s32 @!p0 $0x0, s1;
	[sflag:s0] =	ssyncset.done @!p0 $0x0  }
0xbb: {  	[sflag:s0] =	ssyncadd.s32 @!p0 s1  }
0xbc: {  	[bflag:$0x3] =	sbarrier.arrive $0xFFFF  }
0xbd: {  	_ =	shalt  }

</sc_bundles>
